<compile_context>
chip_gen: v7x
topology: tpu7x:2x2x1
jax: 0.10.2.dev20260603
libtpu: 0.0.44.dev20260713+nightly
codegen_flags: <defaults>
</compile_context>

<pallas_src>
import jax
import jax.numpy as jnp
from jax import lax
from jax.experimental import pallas as pl
from jax.experimental.pallas import tpu as pltpu
from jax.experimental.pallas import tpu_sc as plsc

N_NODES = 10000
N_EDGES = 320000
D = 128
NUM_BASIS = 16
HIDDEN = 128

NC = 2
NS = 16
NW = NC * NS
LANES = 16

CHUNK = 88
GRP = 8
NGRP = 15
NCHUNK = GRP * NGRP
EPW_PAD = NCHUNK * CHUNK
E_PAD = NW * EPW_PAD
ROWS_PER_TILE = 632
N_PAD = NS * ROWS_PER_TILE

EDGE_BLK = 1024


def _pre_body(nf_ref, w_ref, b_ref, o_ref):
    o_ref[...] = (
        jnp.dot(nf_ref[...], w_ref[...], preferred_element_type=jnp.float32)
        + b_ref[...]
    )


def _node_pre(node_feat, W_pre, b_pre):
    blk = 2000
    return pl.pallas_call(
        _pre_body,
        grid=(N_NODES // blk,),
        in_specs=[
            pl.BlockSpec((blk, D), lambda i: (i, 0)),
            pl.BlockSpec((D, D), lambda i: (0, 0)),
            pl.BlockSpec((1, D), lambda i: (0, 0)),
        ],
        out_specs=pl.BlockSpec((blk, D), lambda i: (i, 0)),
        out_shape=jax.ShapeDtypeStruct((N_NODES, D), jnp.float32),
    )(node_feat, W_pre, b_pre.reshape(1, D))


def _tpw_body(ea_ref, w1_ref, b1_ref, w2_ref, b2_ref, o_ref):
    i = pl.program_id(0)
    h = (
        jnp.dot(ea_ref[...], w1_ref[...], preferred_element_type=jnp.float32)
        + b1_ref[...]
    )
    h = h * jax.nn.sigmoid(h)
    w = (
        jnp.dot(h, w2_ref[...], preferred_element_type=jnp.float32)
        + b2_ref[...]
    )
    rows = i * EDGE_BLK + lax.broadcasted_iota(jnp.int32, (EDGE_BLK, 1), 0)
    o_ref[...] = jnp.where(rows < N_EDGES, w, 0.0)


def _edge_tpw(edge_attr_pad, W1, b1, W2, b2):
    return pl.pallas_call(
        _tpw_body,
        grid=(E_PAD // EDGE_BLK,),
        in_specs=[
            pl.BlockSpec((EDGE_BLK, NUM_BASIS), lambda i: (i, 0)),
            pl.BlockSpec((NUM_BASIS, HIDDEN), lambda i: (0, 0)),
            pl.BlockSpec((1, HIDDEN), lambda i: (0, 0)),
            pl.BlockSpec((HIDDEN, D), lambda i: (0, 0)),
            pl.BlockSpec((1, D), lambda i: (0, 0)),
        ],
        out_specs=pl.BlockSpec((EDGE_BLK, D), lambda i: (i, 0)),
        out_shape=jax.ShapeDtypeStruct((E_PAD, D), jnp.float32),
    )(edge_attr_pad, W1, b1.reshape(1, HIDDEN), W2, b2.reshape(1, D))


def _sc_body(x_hbm, tpw_hbm, src_hbm, dst_hbm, zeros_hbm, out_hbm,
             src_v, dst_v, xrow0, xrow1, tpw0, tpw1, accu_sh,
             gsem, tsem, ssem):
    cid = lax.axis_index("c")
    sid = lax.axis_index("s")
    wid = sid * NC + cid

    xrow = (xrow0, xrow1)
    tpw = (tpw0, tpw1)

    pltpu.sync_copy(
        zeros_hbm.at[pl.ds(sid * ROWS_PER_TILE, ROWS_PER_TILE)],
        accu_sh.at[pl.ds(sid * ROWS_PER_TILE, ROWS_PER_TILE)],
    )
    plsc.subcore_barrier()

    def issue(base, c, buf):
        pltpu.async_copy(x_hbm.at[src_v.at[c]], xrow[buf], gsem)
        pltpu.async_copy(tpw_hbm.at[pl.ds(base + c * CHUNK, CHUNK)],
                         tpw[buf], tsem)

    def drain(buf):
        pltpu.make_async_copy(tpw_hbm.at[pl.ds(0, CHUNK)], xrow[buf],
                              gsem).wait()
        pltpu.make_async_copy(tpw_hbm.at[pl.ds(0, CHUNK)], tpw[buf],
                              tsem).wait()

    def drain_scatter():
        pltpu.make_async_copy(x_hbm.at[pl.ds(0, CHUNK)],
                              accu_sh.at[pl.ds(0, CHUNK)], ssem).wait()

    def grp_body(g, carry):
        pltpu.sync_copy(src_hbm.at[wid, g], src_v)
        pltpu.sync_copy(dst_hbm.at[wid, g], dst_v)
        base = (wid * NGRP + g) * GRP * CHUNK
        issue(base, 0, 0)
        for c in range(GRP):
            if c + 1 < GRP:
                if c >= 1:
                    drain_scatter()
                issue(base, c + 1, (c + 1) % 2)
            drain(c % 2)
            xr = xrow[c % 2]
            tw = tpw[c % 2]

            def row_body(r, c3):
                for v in range(D // LANES):
                    s = pl.ds(v * LANES, LANES)
                    xr[r, s] = xr[r, s] * tw[r, s]
                return c3

            lax.fori_loop(0, CHUNK, row_body, 0)
            pltpu.async_copy(xr, accu_sh.at[dst_v.at[c]], ssem, add=True)
        drain_scatter()
        drain_scatter()
        return carry

    lax.fori_loop(0, NGRP, grp_body, 0)
    plsc.subcore_barrier()
    pltpu.sync_copy(
        accu_sh.at[pl.ds(sid * ROWS_PER_TILE, ROWS_PER_TILE)],
        out_hbm.at[cid, pl.ds(sid * ROWS_PER_TILE, ROWS_PER_TILE)],
    )


def _sc_scatter(x, tpw, src, dst, zeros):
    mesh = plsc.VectorSubcoreMesh(
        core_axis_name="c", subcore_axis_name="s", num_cores=NC,
        num_subcores=NS,
    )
    f = pl.kernel(
        _sc_body,
        out_type=jax.ShapeDtypeStruct((NC, N_PAD, D), jnp.float32),
        mesh=mesh,
        scratch_types=[
            pltpu.VMEM((GRP, CHUNK), jnp.int32),
            pltpu.VMEM((GRP, CHUNK), jnp.int32),
            pltpu.VMEM((CHUNK, D), jnp.float32),
            pltpu.VMEM((CHUNK, D), jnp.float32),
            pltpu.VMEM((CHUNK, D), jnp.float32),
            pltpu.VMEM((CHUNK, D), jnp.float32),
            pltpu.VMEM_SHARED((N_PAD, D), jnp.float32),
            pltpu.SemaphoreType.DMA,
            pltpu.SemaphoreType.DMA,
            pltpu.SemaphoreType.DMA,
        ],
    )
    return f(x, tpw, src, dst, zeros)


def _post_body(acc_ref, x_ref, w_ref, o_ref):
    a = acc_ref[0] + acc_ref[1]
    g = a * jax.nn.sigmoid(a)
    o_ref[...] = x_ref[...] + jnp.dot(
        g, w_ref[...], preferred_element_type=jnp.float32
    )


def _node_post(accu, x, W_post):
    blk = 2000
    return pl.pallas_call(
        _post_body,
        grid=(N_NODES // blk,),
        in_specs=[
            pl.BlockSpec((NC, blk, D), lambda i: (0, i, 0)),
            pl.BlockSpec((blk, D), lambda i: (i, 0)),
            pl.BlockSpec((D, D), lambda i: (0, 0)),
        ],
        out_specs=pl.BlockSpec((blk, D), lambda i: (i, 0)),
        out_shape=jax.ShapeDtypeStruct((N_NODES, D), jnp.float32),
    )(accu, x, W_post)


def kernel(node_feat, edge_attr, edge_rshs, edge_index,
           W_pre, b_pre, W1, b1, W2, b2, W_post):
    del edge_rshs
    x = _node_pre(node_feat, W_pre, b_pre)

    ea_pad = jnp.pad(edge_attr, ((0, E_PAD - N_EDGES), (0, 0)))
    tpw = _edge_tpw(ea_pad, W1, b1, W2, b2)

    idx = edge_index.astype(jnp.int32)
    src = jnp.pad(idx[1], (0, E_PAD - N_EDGES)).reshape(NW, NGRP, GRP, CHUNK)
    dst = jnp.pad(idx[0], (0, E_PAD - N_EDGES)).reshape(NW, NGRP, GRP, CHUNK)
    zeros = jnp.zeros((N_PAD, D), jnp.float32)

    accu = _sc_scatter(x, tpw, src, dst, zeros)
    return _node_post(accu, x, W_post)

# --- scband reference (transcript-rebuilt; emitter-appended) ---
"""Pipeline reference for scband-graph-conv-71975061946781 (READ-ONLY COPY).

The authoritative reference and input builder live on the scoring server;
editing this copy changes nothing except your own understanding.
"""

import jax, jax.numpy as jnp
import numpy as np

N_NODES = 10000
N_EDGES = 320000
D = 128
NUM_BASIS = 16
HIDDEN = 128
# With irreps "128x0e" (pure scalars, lmax=0):
#  - o3.Irreps.spherical_harmonics(0) = "1x0e" -> edge_rshs is [E,1] constant 1
#  - o3.Linear == dense layer (path normalization folded into weights)
#  - uvu TensorProduct 128x0e (x) 1x0e -> 128x0e with external per-edge weights
#    reduces exactly to elementwise: out[e,u] = x_j[e,u] * rsh[e,0] * w[e,u]
#    (single path, normalization alpha = 1)
#  - tp.weight_numel = 128
#  - Gate on pure scalars == silu

def setup_inputs(seed: int = 0) -> dict:
    key = jax.random.key(seed)
    ks = jax.random.split(key, 10)
    node_feat = jax.random.normal(ks[0], (N_NODES, D), dtype=jnp.float32)
    edge_attr = jax.random.normal(ks[1], (N_EDGES, NUM_BASIS), dtype=jnp.float32)
    edge_rshs = jnp.ones((N_EDGES, 1), dtype=jnp.float32)
    edge_index = jax.random.randint(ks[2], (2, N_EDGES), 0, N_NODES, dtype=jnp.int64) if jax.config.jax_enable_x64 else jax.random.randint(ks[2], (2, N_EDGES), 0, N_NODES, dtype=jnp.int32)
    # parameters
    W_pre = jax.random.normal(ks[3], (D, D), dtype=jnp.float32) / np.sqrt(D)
    b_pre = jnp.zeros((D,), dtype=jnp.float32)
    W1 = jax.random.normal(ks[4], (NUM_BASIS, HIDDEN), dtype=jnp.float32) / np.sqrt(NUM_BASIS)
    b1 = jnp.zeros((HIDDEN,), dtype=jnp.float32)
    W2 = jax.random.normal(ks[5], (HIDDEN, D), dtype=jnp.float32) / np.sqrt(HIDDEN)
    b2 = jnp.zeros((D,), dtype=jnp.float32)
    W_post = jax.random.normal(ks[6], (D, D), dtype=jnp.float32) / np.sqrt(D)
    return {"node_feat": node_feat, "edge_attr": edge_attr, "edge_rshs": edge_rshs,
            "edge_index": edge_index, "W_pre": W_pre, "b_pre": b_pre,
            "W1": W1, "b1": b1, "W2": W2, "b2": b2, "W_post": W_post}


def reference(node_feat, edge_attr, edge_rshs, edge_index,
              W_pre, b_pre, W1, b1, W2, b2, W_post):
    # lin_node_pre
    x = node_feat @ W_pre + b_pre
    # gather source features: x_j = x[edge_index[1]]
    x_j = jnp.take(x, edge_index[1], axis=0)
    # mlp_edge_rbf -> per-edge tensor-product weights (weight_numel = D)
    h = jax.nn.silu(edge_attr @ W1 + b1)
    tp_w = h @ W2 + b2
    # uvu tensor product with 1x0e rsh: elementwise
    msg_j = x_j * edge_rshs * tp_w
    # scatter-add messages to destination nodes
    accu_msg = jax.ops.segment_sum(msg_j, edge_index[0], num_segments=node_feat.shape[0])
    # gate activation (pure scalars -> silu) then lin_node_post, residual
    out = x + jax.nn.silu(accu_msg) @ W_post
    return out

if __name__ == "__main__":
    import jax
    _d = setup_inputs()
    print(jax.jit(kernel)(*tuple(_d.values())))

</pallas_src>

<mosaic_0001>
#map = affine_map<(d0, d1) -> (0, 0)>
#map1 = affine_map<(d0, d1) -> (0, 0, 0, 0)>
#map2 = affine_map<(d0, d1) -> (0, 0, 0)>
module attributes {stable_mosaic.version = 14 : i64} {
  func.func @_sc_body(%arg0: i32, %arg1: i32, %arg2: memref<10000x128xf32, #tpu.memory_space<hbm>>, %arg3: memref<337920x128xf32, #tpu.memory_space<hbm>>, %arg4: memref<32x15x8x88xi32, #tpu.memory_space<hbm>>, %arg5: memref<32x15x8x88xi32, #tpu.memory_space<hbm>>, %arg6: memref<10112x128xf32, #tpu.memory_space<hbm>>, %arg7: memref<2x10112x128xf32, #tpu.memory_space<hbm>>, %arg8: memref<8x88xi32, #tpu.memory_space<vmem>>, %arg9: memref<8x88xi32, #tpu.memory_space<vmem>>, %arg10: memref<88x128xf32, #tpu.memory_space<vmem>>, %arg11: memref<88x128xf32, #tpu.memory_space<vmem>>, %arg12: memref<88x128xf32, #tpu.memory_space<vmem>>, %arg13: memref<88x128xf32, #tpu.memory_space<vmem>>, %arg14: memref<10112x128xf32, #tpu.memory_space<vmem_shared>>, %arg15: memref<!tpu.dma_semaphore, #tpu.memory_space<semaphore_mem>>, %arg16: memref<!tpu.dma_semaphore, #tpu.memory_space<semaphore_mem>>, %arg17: memref<!tpu.dma_semaphore, #tpu.memory_space<semaphore_mem>>) attributes {dimension_semantics = [#tpu.dimension_semantics<core_parallel>, #tpu.dimension_semantics<subcore_parallel>], iteration_bounds = array<i64: 2, 16>, scalar_prefetch = 0 : i64, scratch_operands = 10 : i64, tpu.core_type = #tpu.core_type<sc_vector_subcore>, window_params = [{transform_indices = #map}, {transform_indices = #map}, {transform_indices = #map1}, {transform_indices = #map1}, {transform_indices = #map}, {transform_indices = #map2}]} {
    %mul3A = arith.constant 2 : i32
    %mul3A_0 = arith.muli %arg1, %mul3A : i32
    %add3A = arith.addi %mul3A_0, %arg0 : i32
    %mul3A_1 = arith.constant 632 : i32
    %mul3A_2 = arith.muli %arg1, %mul3A_1 : i32
    %mul3A_3 = arith.constant 632 : i32
    %mul3A_4 = arith.muli %arg1, %mul3A_3 : i32
    "tpu.region"() ({
      %run_scoped3A = tpu.sem_alloc : memref<!tpu.dma_semaphore, #tpu.memory_space<semaphore_mem>>
      %dma_start3A = arith.constant 0 : i32
      %dma_start3A_15 = tpu.memref_slice %arg14[%mul3A_4, %dma_start3A] : memref<10112x128xf32, #tpu.memory_space<vmem_shared>> -> memref<632x128xf32, #tpu.memory_space<vmem_shared>>
      %dma_start3A_16 = arith.constant 0 : i32
      %dma_start3A_17 = tpu.memref_slice %arg6[%mul3A_2, %dma_start3A_16] : memref<10112x128xf32, #tpu.memory_space<hbm>> -> memref<632x128xf32, #tpu.memory_space<hbm>>
      tpu.enqueue_dma source(%dma_start3A_17 : memref<632x128xf32, #tpu.memory_space<hbm>>) target(%dma_start3A_15 : memref<632x128xf32, #tpu.memory_space<vmem_shared>>) target_semaphore(%run_scoped3A : memref<!tpu.dma_semaphore, #tpu.memory_space<semaphore_mem>>)
      %dma_wait3A = arith.constant 0 : i32
      %dma_wait3A_18 = tpu.memref_slice %arg14[%mul3A_4, %dma_wait3A] : memref<10112x128xf32, #tpu.memory_space<vmem_shared>> -> memref<632x128xf32, #tpu.memory_space<vmem_shared>>
      %dma_wait3A_19 = arith.constant 0 : i32
      %dma_wait3A_20 = tpu.memref_slice %arg6[%mul3A_2, %dma_wait3A_19] : memref<10112x128xf32, #tpu.memory_space<hbm>> -> memref<632x128xf32, #tpu.memory_space<hbm>>
      tpu.wait_dma2 semaphore(%run_scoped3A : memref<!tpu.dma_semaphore, #tpu.memory_space<semaphore_mem>>) src(%dma_wait3A_20 : memref<632x128xf32, #tpu.memory_space<hbm>>) dst(%dma_wait3A_18 : memref<632x128xf32, #tpu.memory_space<vmem_shared>>)
      tpu.yield
    }) : () -> ()
    %barrier3A = arith.constant 0 : index
    tpu.barrier barrier_id(%barrier3A)
    %scan3A = arith.constant 0 : i32
    %scan3A_5 = arith.constant 0 : i32
    %scan3A_6 = arith.constant 15 : i32
    %scan3A_7 = arith.addi %scan3A_5, %scan3A_6 : i32
    %scan3A_8 = arith.constant 1 : i32
    scf.for %scan3A_15 = %scan3A_5 to %scan3A_7 step %scan3A_8  : i32 {
      "tpu.region"() ({
        %run_scoped3A = tpu.sem_alloc : memref<!tpu.dma_semaphore, #tpu.memory_space<semaphore_mem>>
        %dma_start3A_373 = arith.constant 0 : i32
        %dma_start3A_374 = arith.constant 0 : i32
        %dma_start3A_375 = tpu.memref_slice %arg4[%add3A, %scan3A_15, %dma_start3A_373, %dma_start3A_374] : memref<32x15x8x88xi32, #tpu.memory_space<hbm>> -> memref<1x1x8x88xi32, #tpu.memory_space<hbm>>
        %dma_start3A_376 = tpu.memref_squeeze %dma_start3A_375 : memref<1x1x8x88xi32, #tpu.memory_space<hbm>> -> memref<8x88xi32, #tpu.memory_space<hbm>>
        %dma_start3A_377 = arith.constant 0 : i32
        %dma_start3A_378 = arith.constant 0 : i32
        %dma_start3A_379 = tpu.memref_slice %arg4[%add3A, %scan3A_15, %dma_start3A_377, %dma_start3A_378] : memref<32x15x8x88xi32, #tpu.memory_space<hbm>> -> memref<1x1x8x88xi32, #tpu.memory_space<hbm>>
        %dma_start3A_380 = tpu.memref_squeeze %dma_start3A_379 : memref<1x1x8x88xi32, #tpu.memory_space<hbm>> -> memref<8x88xi32, #tpu.memory_space<hbm>>
        tpu.enqueue_dma source(%dma_start3A_380 : memref<8x88xi32, #tpu.memory_space<hbm>>) target(%arg8 : memref<8x88xi32, #tpu.memory_space<vmem>>) target_semaphore(%run_scoped3A : memref<!tpu.dma_semaphore, #tpu.memory_space<semaphore_mem>>)
        %dma_wait3A_381 = arith.constant 0 : i32
        %dma_wait3A_382 = arith.constant 0 : i32
        %dma_wait3A_383 = tpu.memref_slice %arg4[%add3A, %scan3A_15, %dma_wait3A_381, %dma_wait3A_382] : memref<32x15x8x88xi32, #tpu.memory_space<hbm>> -> memref<1x1x8x88xi32, #tpu.memory_space<hbm>>
        %dma_wait3A_384 = tpu.memref_squeeze %dma_wait3A_383 : memref<1x1x8x88xi32, #tpu.memory_space<hbm>> -> memref<8x88xi32, #tpu.memory_space<hbm>>
        %dma_wait3A_385 = arith.constant 0 : i32
        %dma_wait3A_386 = arith.constant 0 : i32
        %dma_wait3A_387 = tpu.memref_slice %arg4[%add3A, %scan3A_15, %dma_wait3A_385, %dma_wait3A_386] : memref<32x15x8x88xi32, #tpu.memory_space<hbm>> -> memref<1x1x8x88xi32, #tpu.memory_space<hbm>>
        %dma_wait3A_388 = tpu.memref_squeeze %dma_wait3A_387 : memref<1x1x8x88xi32, #tpu.memory_space<hbm>> -> memref<8x88xi32, #tpu.memory_space<hbm>>
        tpu.wait_dma2 semaphore(%run_scoped3A : memref<!tpu.dma_semaphore, #tpu.memory_space<semaphore_mem>>) src(%dma_wait3A_388 : memref<8x88xi32, #tpu.memory_space<hbm>>) dst(%arg8 : memref<8x88xi32, #tpu.memory_space<vmem>>)
        tpu.yield
      }) : () -> ()
      "tpu.region"() ({
        %run_scoped3A = tpu.sem_alloc : memref<!tpu.dma_semaphore, #tpu.memory_space<semaphore_mem>>
        %dma_start3A_373 = arith.constant 0 : i32
        %dma_start3A_374 = arith.constant 0 : i32
        %dma_start3A_375 = tpu.memref_slice %arg5[%add3A, %scan3A_15, %dma_start3A_373, %dma_start3A_374] : memref<32x15x8x88xi32, #tpu.memory_space<hbm>> -> memref<1x1x8x88xi32, #tpu.memory_space<hbm>>
        %dma_start3A_376 = tpu.memref_squeeze %dma_start3A_375 : memref<1x1x8x88xi32, #tpu.memory_space<hbm>> -> memref<8x88xi32, #tpu.memory_space<hbm>>
        %dma_start3A_377 = arith.constant 0 : i32
        %dma_start3A_378 = arith.constant 0 : i32
        %dma_start3A_379 = tpu.memref_slice %arg5[%add3A, %scan3A_15, %dma_start3A_377, %dma_start3A_378] : memref<32x15x8x88xi32, #tpu.memory_space<hbm>> -> memref<1x1x8x88xi32, #tpu.memory_space<hbm>>
        %dma_start3A_380 = tpu.memref_squeeze %dma_start3A_379 : memref<1x1x8x88xi32, #tpu.memory_space<hbm>> -> memref<8x88xi32, #tpu.memory_space<hbm>>
        tpu.enqueue_dma source(%dma_start3A_380 : memref<8x88xi32, #tpu.memory_space<hbm>>) target(%arg9 : memref<8x88xi32, #tpu.memory_space<vmem>>) target_semaphore(%run_scoped3A : memref<!tpu.dma_semaphore, #tpu.memory_space<semaphore_mem>>)
        %dma_wait3A_381 = arith.constant 0 : i32
        %dma_wait3A_382 = arith.constant 0 : i32
        %dma_wait3A_383 = tpu.memref_slice %arg5[%add3A, %scan3A_15, %dma_wait3A_381, %dma_wait3A_382] : memref<32x15x8x88xi32, #tpu.memory_space<hbm>> -> memref<1x1x8x88xi32, #tpu.memory_space<hbm>>
        %dma_wait3A_384 = tpu.memref_squeeze %dma_wait3A_383 : memref<1x1x8x88xi32, #tpu.memory_space<hbm>> -> memref<8x88xi32, #tpu.memory_space<hbm>>
        %dma_wait3A_385 = arith.constant 0 : i32
        %dma_wait3A_386 = arith.constant 0 : i32
        %dma_wait3A_387 = tpu.memref_slice %arg5[%add3A, %scan3A_15, %dma_wait3A_385, %dma_wait3A_386] : memref<32x15x8x88xi32, #tpu.memory_space<hbm>> -> memref<1x1x8x88xi32, #tpu.memory_space<hbm>>
        %dma_wait3A_388 = tpu.memref_squeeze %dma_wait3A_387 : memref<1x1x8x88xi32, #tpu.memory_space<hbm>> -> memref<8x88xi32, #tpu.memory_space<hbm>>
        tpu.wait_dma2 semaphore(%run_scoped3A : memref<!tpu.dma_semaphore, #tpu.memory_space<semaphore_mem>>) src(%dma_wait3A_388 : memref<8x88xi32, #tpu.memory_space<hbm>>) dst(%arg9 : memref<8x88xi32, #tpu.memory_space<vmem>>)
        tpu.yield
      }) : () -> ()
      %mul3A_16 = arith.constant 15 : i32
      %mul3A_17 = arith.muli %add3A, %mul3A_16 : i32
      %add3A_18 = arith.addi %mul3A_17, %scan3A_15 : i32
      %mul3A_19 = arith.constant 8 : i32
      %mul3A_20 = arith.muli %add3A_18, %mul3A_19 : i32
      %mul3A_21 = arith.constant 88 : i32
      %mul3A_22 = arith.muli %mul3A_20, %mul3A_21 : i32
      %dma_start3A = arith.constant 0 : i32
      %dma_start3A_23 = arith.constant 0 : i32
      %dma_start3A_24 = tpu.memref_slice %arg8[%dma_start3A, %dma_start3A_23] : memref<8x88xi32, #tpu.memory_space<vmem>> -> memref<1x88xi32, #tpu.memory_space<vmem>>
      %dma_start3A_25 = tpu.memref_squeeze %dma_start3A_24 : memref<1x88xi32, #tpu.memory_space<vmem>> -> memref<88xi32, #tpu.memory_space<vmem>>
      %dma_start3A_26 = arith.constant 0 : i32
      %dma_start3A_27 = arith.constant 0 : i32
      %dma_start3A_28 = tpu.memref_slice %arg2[%dma_start3A_26, %dma_start3A_27] : memref<10000x128xf32, #tpu.memory_space<hbm>> -> memref<10000x128xf32, #tpu.memory_space<hbm>>
      tpu.enqueue_indirect_dma source(%dma_start3A_28 : memref<10000x128xf32, #tpu.memory_space<hbm>>) target(%arg10 : memref<88x128xf32, #tpu.memory_space<vmem>>) offsets(%dma_start3A_25 : memref<88xi32, #tpu.memory_space<vmem>>) semaphore(%arg15 : memref<!tpu.dma_semaphore, #tpu.memory_space<semaphore_mem>>)
      %add3A_29 = arith.constant 0 : i32
      %add3A_30 = arith.addi %mul3A_22, %add3A_29 : i32
      %dma_start3A_31 = arith.constant 0 : i32
      %dma_start3A_32 = tpu.memref_slice %arg3[%add3A_30, %dma_start3A_31] : memref<337920x128xf32, #tpu.memory_space<hbm>> -> memref<88x128xf32, #tpu.memory_space<hbm>>
      %dma_start3A_33 = arith.constant 0 : i32
      %dma_start3A_34 = tpu.memref_slice %arg3[%add3A_30, %dma_start3A_33] : memref<337920x128xf32, #tpu.memory_space<hbm>> -> memref<88x128xf32, #tpu.memory_space<hbm>>
      tpu.enqueue_dma source(%dma_start3A_34 : memref<88x128xf32, #tpu.memory_space<hbm>>) target(%arg12 : memref<88x128xf32, #tpu.memory_space<vmem>>) target_semaphore(%arg16 : memref<!tpu.dma_semaphore, #tpu.memory_space<semaphore_mem>>)
      %dma_start3A_35 = arith.constant 1 : i32
      %dma_start3A_36 = arith.constant 0 : i32
      %dma_start3A_37 = tpu.memref_slice %arg8[%dma_start3A_35, %dma_start3A_36] : memref<8x88xi32, #tpu.memory_space<vmem>> -> memref<1x88xi32, #tpu.memory_space<vmem>>
      %dma_start3A_38 = tpu.memref_squeeze %dma_start3A_37 : memref<1x88xi32, #tpu.memory_space<vmem>> -> memref<88xi32, #tpu.memory_space<vmem>>
      %dma_start3A_39 = arith.constant 0 : i32
      %dma_start3A_40 = arith.constant 0 : i32
      %dma_start3A_41 = tpu.memref_slice %arg2[%dma_start3A_39, %dma_start3A_40] : memref<10000x128xf32, #tpu.memory_space<hbm>> -> memref<10000x128xf32, #tpu.memory_space<hbm>>
      tpu.enqueue_indirect_dma source(%dma_start3A_41 : memref<10000x128xf32, #tpu.memory_space<hbm>>) target(%arg11 : memref<88x128xf32, #tpu.memory_space<vmem>>) offsets(%dma_start3A_38 : memref<88xi32, #tpu.memory_space<vmem>>) semaphore(%arg15 : memref<!tpu.dma_semaphore, #tpu.memory_space<semaphore_mem>>)
      %add3A_42 = arith.constant 88 : i32
      %add3A_43 = arith.addi %mul3A_22, %add3A_42 : i32
      %dma_start3A_44 = arith.constant 0 : i32
      %dma_start3A_45 = tpu.memref_slice %arg3[%add3A_43, %dma_start3A_44] : memref<337920x128xf32, #tpu.memory_space<hbm>> -> memref<88x128xf32, #tpu.memory_space<hbm>>
      %dma_start3A_46 = arith.constant 0 : i32
      %dma_start3A_47 = tpu.memref_slice %arg3[%add3A_43, %dma_start3A_46] : memref<337920x128xf32, #tpu.memory_space<hbm>> -> memref<88x128xf32, #tpu.memory_space<hbm>>
      tpu.enqueue_dma source(%dma_start3A_47 : memref<88x128xf32, #tpu.memory_space<hbm>>) target(%arg13 : memref<88x128xf32, #tpu.memory_space<vmem>>) target_semaphore(%arg16 : memref<!tpu.dma_semaphore, #tpu.memory_space<semaphore_mem>>)
      %dma_wait3A = arith.constant 0 : i32
      %dma_wait3A_48 = arith.constant 0 : i32
      %dma_wait3A_49 = tpu.memref_slice %arg3[%dma_wait3A, %dma_wait3A_48] : memref<337920x128xf32, #tpu.memory_space<hbm>> -> memref<88x128xf32, #tpu.memory_space<hbm>>
      %dma_wait3A_50 = arith.constant 0 : i32
      %dma_wait3A_51 = arith.constant 0 : i32
      %dma_wait3A_52 = tpu.memref_slice %arg3[%dma_wait3A_50, %dma_wait3A_51] : memref<337920x128xf32, #tpu.memory_space<hbm>> -> memref<88x128xf32, #tpu.memory_space<hbm>>
      tpu.wait_dma2 semaphore(%arg15 : memref<!tpu.dma_semaphore, #tpu.memory_space<semaphore_mem>>) src(%dma_wait3A_52 : memref<88x128xf32, #tpu.memory_space<hbm>>) dst(%arg10 : memref<88x128xf32, #tpu.memory_space<vmem>>)
      %dma_wait3A_53 = arith.constant 0 : i32
      %dma_wait3A_54 = arith.constant 0 : i32
      %dma_wait3A_55 = tpu.memref_slice %arg3[%dma_wait3A_53, %dma_wait3A_54] : memref<337920x128xf32, #tpu.memory_space<hbm>> -> memref<88x128xf32, #tpu.memory_space<hbm>>
      %dma_wait3A_56 = arith.constant 0 : i32
      %dma_wait3A_57 = arith.constant 0 : i32
      %dma_wait3A_58 = tpu.memref_slice %arg3[%dma_wait3A_56, %dma_wait3A_57] : memref<337920x128xf32, #tpu.memory_space<hbm>> -> memref<88x128xf32, #tpu.memory_space<hbm>>
      tpu.wait_dma2 semaphore(%arg16 : memref<!tpu.dma_semaphore, #tpu.memory_space<semaphore_mem>>) src(%dma_wait3A_58 : memref<88x128xf32, #tpu.memory_space<hbm>>) dst(%arg12 : memref<88x128xf32, #tpu.memory_space<vmem>>)
      %scan3A_59 = arith.constant 0 : i32
      %scan3A_60 = arith.constant 0 : i32
      %scan3A_61 = arith.constant 88 : i32
      %scan3A_62 = arith.addi %scan3A_60, %scan3A_61 : i32
      %scan3A_63 = arith.constant 1 : i32
      scf.for %scan3A_373 = %scan3A_60 to %scan3A_62 step %scan3A_63  : i32 {
        %get3A = arith.index_cast %scan3A_373 : i32 to index
        %get3A_374 = arith.constant 0 : index
        %get3A_375 = tpu.vector_load %arg10[%get3A, %get3A_374] {strides = array<i32>} : memref<88x128xf32, #tpu.memory_space<vmem>>, vector<1x16xf32>,
        %get3A_376 = vector.shape_cast %get3A_375 : vector<1x16xf32> to vector<16xf32>
        %get3A_377 = arith.index_cast %scan3A_373 : i32 to index
        %get3A_378 = arith.constant 0 : index
        %get3A_379 = tpu.vector_load %arg12[%get3A_377, %get3A_378] {strides = array<i32>} : memref<88x128xf32, #tpu.memory_space<vmem>>, vector<1x16xf32>,
        %get3A_380 = vector.shape_cast %get3A_379 : vector<1x16xf32> to vector<16xf32>
        %mul3A_381 = arith.mulf %get3A_376, %get3A_380 : vector<16xf32>
        %swap3A = arith.index_cast %scan3A_373 : i32 to index
        %swap3A_382 = arith.constant 0 : index
        %swap3A_383 = tpu.vector_load %arg10[%swap3A, %swap3A_382] {strides = array<i32>} : memref<88x128xf32, #tpu.memory_space<vmem>>, vector<1x16xf32>,
        %swap3A_384 = vector.shape_cast %swap3A_383 : vector<1x16xf32> to vector<16xf32>
        %swap3A_385 = vector.shape_cast %mul3A_381 : vector<16xf32> to vector<1x16xf32>
        tpu.vector_store %arg10[%swap3A, %swap3A_382], %swap3A_385 {strides = array<i32>} : memref<88x128xf32, #tpu.memory_space<vmem>>, vector<1x16xf32>,
        %get3A_386 = arith.index_cast %scan3A_373 : i32 to index
        %get3A_387 = arith.constant 16 : index
        %get3A_388 = tpu.vector_load %arg10[%get3A_386, %get3A_387] {strides = array<i32>} : memref<88x128xf32, #tpu.memory_space<vmem>>, vector<1x16xf32>,
        %get3A_389 = vector.shape_cast %get3A_388 : vector<1x16xf32> to vector<16xf32>
        %get3A_390 = arith.index_cast %scan3A_373 : i32 to index
        %get3A_391 = arith.constant 16 : index
        %get3A_392 = tpu.vector_load %arg12[%get3A_390, %get3A_391] {strides = array<i32>} : memref<88x128xf32, #tpu.memory_space<vmem>>, vector<1x16xf32>,
        %get3A_393 = vector.shape_cast %get3A_392 : vector<1x16xf32> to vector<16xf32>
        %mul3A_394 = arith.mulf %get3A_389, %get3A_393 : vector<16xf32>
        %swap3A_395 = arith.index_cast %scan3A_373 : i32 to index
        %swap3A_396 = arith.constant 16 : index
        %swap3A_397 = tpu.vector_load %arg10[%swap3A_395, %swap3A_396] {strides = array<i32>} : memref<88x128xf32, #tpu.memory_space<vmem>>, vector<1x16xf32>,
        %swap3A_398 = vector.shape_cast %swap3A_397 : vector<1x16xf32> to vector<16xf32>
        %swap3A_399 = vector.shape_cast %mul3A_394 : vector<16xf32> to vector<1x16xf32>
        tpu.vector_store %arg10[%swap3A_395, %swap3A_396], %swap3A_399 {strides = array<i32>} : memref<88x128xf32, #tpu.memory_space<vmem>>, vector<1x16xf32>,
        %get3A_400 = arith.index_cast %scan3A_373 : i32 to index
        %get3A_401 = arith.constant 32 : index
        %get3A_402 = tpu.vector_load %arg10[%get3A_400, %get3A_401] {strides = array<i32>} : memref<88x128xf32, #tpu.memory_space<vmem>>, vector<1x16xf32>,
        %get3A_403 = vector.shape_cast %get3A_402 : vector<1x16xf32> to vector<16xf32>
        %get3A_404 = arith.index_cast %scan3A_373 : i32 to index
        %get3A_405 = arith.constant 32 : index
        %get3A_406 = tpu.vector_load %arg12[%get3A_404, %get3A_405] {strides = array<i32>} : memref<88x128xf32, #tpu.memory_space<vmem>>, vector<1x16xf32>,
        %get3A_407 = vector.shape_cast %get3A_406 : vector<1x16xf32> to vector<16xf32>
        %mul3A_408 = arith.mulf %get3A_403, %get3A_407 : vector<16xf32>
        %swap3A_409 = arith.index_cast %scan3A_373 : i32 to index
        %swap3A_410 = arith.constant 32 : index
        %swap3A_411 = tpu.vector_load %arg10[%swap3A_409, %swap3A_410] {strides = array<i32>} : memref<88x128xf32, #tpu.memory_space<vmem>>, vector<1x16xf32>,
        %swap3A_412 = vector.shape_cast %swap3A_411 : vector<1x16xf32> to vector<16xf32>
        %swap3A_413 = vector.shape_cast %mul3A_408 : vector<16xf32> to vector<1x16xf32>
        tpu.vector_store %arg10[%swap3A_409, %swap3A_410], %swap3A_413 {strides = array<i32>} : memref<88x128xf32, #tpu.memory_space<vmem>>, vector<1x16xf32>,
        %get3A_414 = arith.index_cast %scan3A_373 : i32 to index
        %get3A_415 = arith.constant 48 : index
        %get3A_416 = tpu.vector_load %arg10[%get3A_414, %get3A_415] {strides = array<i32>} : memref<88x128xf32, #tpu.memory_space<vmem>>, vector<1x16xf32>,
        %get3A_417 = vector.shape_cast %get3A_416 : vector<1x16xf32> to vector<16xf32>
        %get3A_418 = arith.index_cast %scan3A_373 : i32 to index
        %get3A_419 = arith.constant 48 : index
        %get3A_420 = tpu.vector_load %arg12[%get3A_418, %get3A_419] {strides = array<i32>} : memref<88x128xf32, #tpu.memory_space<vmem>>, vector<1x16xf32>,
        %get3A_421 = vector.shape_cast %get3A_420 : vector<1x16xf32> to vector<16xf32>
        %mul3A_422 = arith.mulf %get3A_417, %get3A_421 : vector<16xf32>
        %swap3A_423 = arith.index_cast %scan3A_373 : i32 to index
        %swap3A_424 = arith.constant 48 : index
        %swap3A_425 = tpu.vector_load %arg10[%swap3A_423, %swap3A_424] {strides = array<i32>} : memref<88x128xf32, #tpu.memory_space<vmem>>, vector<1x16xf32>,
        %swap3A_426 = vector.shape_cast %swap3A_425 : vector<1x16xf32> to vector<16xf32>
        %swap3A_427 = vector.shape_cast %mul3A_422 : vector<16xf32> to vector<1x16xf32>
        tpu.vector_store %arg10[%swap3A_423, %swap3A_424], %swap3A_427 {strides = array<i32>} : memref<88x128xf32, #tpu.memory_space<vmem>>, vector<1x16xf32>,
        %get3A_428 = arith.index_cast %scan3A_373 : i32 to index
        %get3A_429 = arith.constant 64 : index
        %get3A_430 = tpu.vector_load %arg10[%get3A_428, %get3A_429] {strides = array<i32>} : memref<88x128xf32, #tpu.memory_space<vmem>>, vector<1x16xf32>,
        %get3A_431 = vector.shape_cast %get3A_430 : vector<1x16xf32> to vector<16xf32>
        %get3A_432 = arith.index_cast %scan3A_373 : i32 to index
        %get3A_433 = arith.constant 64 : index
        %get3A_434 = tpu.vector_load %arg12[%get3A_432, %get3A_433] {strides = array<i32>} : memref<88x128xf32, #tpu.memory_space<vmem>>, vector<1x16xf32>,
        %get3A_435 = vector.shape_cast %get3A_434 : vector<1x16xf32> to vector<16xf32>
        %mul3A_436 = arith.mulf %get3A_431, %get3A_435 : vector<16xf32>
        %swap3A_437 = arith.index_cast %scan3A_373 : i32 to index
        %swap3A_438 = arith.constant 64 : index
        %swap3A_439 = tpu.vector_load %arg10[%swap3A_437, %swap3A_438] {strides = array<i32>} : memref<88x128xf32, #tpu.memory_space<vmem>>, vector<1x16xf32>,
        %swap3A_440 = vector.shape_cast %swap3A_439 : vector<1x16xf32> to vector<16xf32>
        %swap3A_441 = vector.shape_cast %mul3A_436 : vector<16xf32> to vector<1x16xf32>
        tpu.vector_store %arg10[%swap3A_437, %swap3A_438], %swap3A_441 {strides = array<i32>} : memref<88x128xf32, #tpu.memory_space<vmem>>, vector<1x16xf32>,
        %get3A_442 = arith.index_cast %scan3A_373 : i32 to index
        %get3A_443 = arith.constant 80 : index
        %get3A_444 = tpu.vector_load %arg10[%get3A_442, %get3A_443] {strides = array<i32>} : memref<88x128xf32, #tpu.memory_space<vmem>>, vector<1x16xf32>,
        %get3A_445 = vector.shape_cast %get3A_444 : vector<1x16xf32> to vector<16xf32>
        %get3A_446 = arith.index_cast %scan3A_373 : i32 to index
        %get3A_447 = arith.constant 80 : index
        %get3A_448 = tpu.vector_load %arg12[%get3A_446, %get3A_447] {strides = array<i32>} : memref<88x128xf32, #tpu.memory_space<vmem>>, vector<1x16xf32>,
        %get3A_449 = vector.shape_cast %get3A_448 : vector<1x16xf32> to vector<16xf32>
        %mul3A_450 = arith.mulf %get3A_445, %get3A_449 : vector<16xf32>
        %swap3A_451 = arith.index_cast %scan3A_373 : i32 to index
        %swap3A_452 = arith.constant 80 : index
        %swap3A_453 = tpu.vector_load %arg10[%swap3A_451, %swap3A_452] {strides = array<i32>} : memref<88x128xf32, #tpu.memory_space<vmem>>, vector<1x16xf32>,
        %swap3A_454 = vector.shape_cast %swap3A_453 : vector<1x16xf32> to vector<16xf32>
        %swap3A_455 = vector.shape_cast %mul3A_450 : vector<16xf32> to vector<1x16xf32>
        tpu.vector_store %arg10[%swap3A_451, %swap3A_452], %swap3A_455 {strides = array<i32>} : memref<88x128xf32, #tpu.memory_space<vmem>>, vector<1x16xf32>,
        %get3A_456 = arith.index_cast %scan3A_373 : i32 to index
        %get3A_457 = arith.constant 96 : index
        %get3A_458 = tpu.vector_load %arg10[%get3A_456, %get3A_457] {strides = array<i32>} : memref<88x128xf32, #tpu.memory_space<vmem>>, vector<1x16xf32>,
        %get3A_459 = vector.shape_cast %get3A_458 : vector<1x16xf32> to vector<16xf32>
        %get3A_460 = arith.index_cast %scan3A_373 : i32 to index
        %get3A_461 = arith.constant 96 : index
        %get3A_462 = tpu.vector_load %arg12[%get3A_460, %get3A_461] {strides = array<i32>} : memref<88x128xf32, #tpu.memory_space<vmem>>, vector<1x16xf32>,
        %get3A_463 = vector.shape_cast %get3A_462 : vector<1x16xf32> to vector<16xf32>
        %mul3A_464 = arith.mulf %get3A_459, %get3A_463 : vector<16xf32>
        %swap3A_465 = arith.index_cast %scan3A_373 : i32 to index
        %swap3A_466 = arith.constant 96 : index
        %swap3A_467 = tpu.vector_load %arg10[%swap3A_465, %swap3A_466] {strides = array<i32>} : memref<88x128xf32, #tpu.memory_space<vmem>>, vector<1x16xf32>,
        %swap3A_468 = vector.shape_cast %swap3A_467 : vector<1x16xf32> to vector<16xf32>
        %swap3A_469 = vector.shape_cast %mul3A_464 : vector<16xf32> to vector<1x16xf32>
        tpu.vector_store %arg10[%swap3A_465, %swap3A_466], %swap3A_469 {strides = array<i32>} : memref<88x128xf32, #tpu.memory_space<vmem>>, vector<1x16xf32>,
        %get3A_470 = arith.index_cast %scan3A_373 : i32 to index
        %get3A_471 = arith.constant 112 : index
        %get3A_472 = tpu.vector_load %arg10[%get3A_470, %get3A_471] {strides = array<i32>} : memref<88x128xf32, #tpu.memory_space<vmem>>, vector<1x16xf32>,
        %get3A_473 = vector.shape_cast %get3A_472 : vector<1x16xf32> to vector<16xf32>
        %get3A_474 = arith.index_cast %scan3A_373 : i32 to index
        %get3A_475 = arith.constant 112 : index
        %get3A_476 = tpu.vector_load %arg12[%get3A_474, %get3A_475] {strides = array<i32>} : memref<88x128xf32, #tpu.memory_space<vmem>>, vector<1x16xf32>,
        %get3A_477 = vector.shape_cast %get3A_476 : vector<1x16xf32> to vector<16xf32>
        %mul3A_478 = arith.mulf %get3A_473, %get3A_477 : vector<16xf32>
        %swap3A_479 = arith.index_cast %scan3A_373 : i32 to index
        %swap3A_480 = arith.constant 112 : index
        %swap3A_481 = tpu.vector_load %arg10[%swap3A_479, %swap3A_480] {strides = array<i32>} : memref<88x128xf32, #tpu.memory_space<vmem>>, vector<1x16xf32>,
        %swap3A_482 = vector.shape_cast %swap3A_481 : vector<1x16xf32> to vector<16xf32>
        %swap3A_483 = vector.shape_cast %mul3A_478 : vector<16xf32> to vector<1x16xf32>
        tpu.vector_store %arg10[%swap3A_479, %swap3A_480], %swap3A_483 {strides = array<i32>} : memref<88x128xf32, #tpu.memory_space<vmem>>, vector<1x16xf32>,
      }
      %scan3A_64 = arith.constant 88 : i32
      %dma_start3A_65 = arith.constant 0 : i32
      %dma_start3A_66 = arith.constant 0 : i32
      %dma_start3A_67 = tpu.memref_slice %arg9[%dma_start3A_65, %dma_start3A_66] : memref<8x88xi32, #tpu.memory_space<vmem>> -> memref<1x88xi32, #tpu.memory_space<vmem>>
      %dma_start3A_68 = tpu.memref_squeeze %dma_start3A_67 : memref<1x88xi32, #tpu.memory_space<vmem>> -> memref<88xi32, #tpu.memory_space<vmem>>
      %dma_start3A_69 = arith.constant 0 : i32
      %dma_start3A_70 = arith.constant 0 : i32
      %dma_start3A_71 = tpu.memref_slice %arg14[%dma_start3A_69, %dma_start3A_70] : memref<10112x128xf32, #tpu.memory_space<vmem_shared>> -> memref<10112x128xf32, #tpu.memory_space<vmem_shared>>
      tpu.enqueue_indirect_dma source(%arg10 : memref<88x128xf32, #tpu.memory_space<vmem>>) target(%dma_start3A_71 : memref<10112x128xf32, #tpu.memory_space<vmem_shared>>) offsets(%dma_start3A_68 : memref<88xi32, #tpu.memory_space<vmem>>) semaphore(%arg17 : memref<!tpu.dma_semaphore, #tpu.memory_space<semaphore_mem>>) {add = true}
      %dma_wait3A_72 = arith.constant 0 : i32
      %dma_wait3A_73 = arith.constant 0 : i32
      %dma_wait3A_74 = tpu.memref_slice %arg14[%dma_wait3A_72, %dma_wait3A_73] : memref<10112x128xf32, #tpu.memory_space<vmem_shared>> -> memref<88x128xf32, #tpu.memory_space<vmem_shared>>
      %dma_wait3A_75 = arith.constant 0 : i32
      %dma_wait3A_76 = arith.constant 0 : i32
      %dma_wait3A_77 = tpu.memref_slice %arg2[%dma_wait3A_75, %dma_wait3A_76] : memref<10000x128xf32, #tpu.memory_space<hbm>> -> memref<88x128xf32, #tpu.memory_space<hbm>>
      tpu.wait_dma2 semaphore(%arg17 : memref<!tpu.dma_semaphore, #tpu.memory_space<semaphore_mem>>) src(%dma_wait3A_77 : memref<88x128xf32, #tpu.memory_space<hbm>>) dst(%dma_wait3A_74 : memref<88x128xf32, #tpu.memory_space<vmem_shared>>)
      %dma_start3A_78 = arith.constant 2 : i32
      %dma_start3A_79 = arith.constant 0 : i32
      %dma_start3A_80 = tpu.memref_slice %arg8[%dma_start3A_78, %dma_start3A_79] : memref<8x88xi32, #tpu.memory_space<vmem>> -> memref<1x88xi32, #tpu.memory_space<vmem>>
      %dma_start3A_81 = tpu.memref_squeeze %dma_start3A_80 : memref<1x88xi32, #tpu.memory_space<vmem>> -> memref<88xi32, #tpu.memory_space<vmem>>
      %dma_start3A_82 = arith.constant 0 : i32
      %dma_start3A_83 = arith.constant 0 : i32
      %dma_start3A_84 = tpu.memref_slice %arg2[%dma_start3A_82, %dma_start3A_83] : memref<10000x128xf32, #tpu.memory_space<hbm>> -> memref<10000x128xf32, #tpu.memory_space<hbm>>
      tpu.enqueue_indirect_dma source(%dma_start3A_84 : memref<10000x128xf32, #tpu.memory_space<hbm>>) target(%arg10 : memref<88x128xf32, #tpu.memory_space<vmem>>) offsets(%dma_start3A_81 : memref<88xi32, #tpu.memory_space<vmem>>) semaphore(%arg15 : memref<!tpu.dma_semaphore, #tpu.memory_space<semaphore_mem>>)
      %add3A_85 = arith.constant 176 : i32
      %add3A_86 = arith.addi %mul3A_22, %add3A_85 : i32
      %dma_start3A_87 = arith.constant 0 : i32
      %dma_start3A_88 = tpu.memref_slice %arg3[%add3A_86, %dma_start3A_87] : memref<337920x128xf32, #tpu.memory_space<hbm>> -> memref<88x128xf32, #tpu.memory_space<hbm>>
      %dma_start3A_89 = arith.constant 0 : i32
      %dma_start3A_90 = tpu.memref_slice %arg3[%add3A_86, %dma_start3A_89] : memref<337920x128xf32, #tpu.memory_space<hbm>> -> memref<88x128xf32, #tpu.memory_space<hbm>>
      tpu.enqueue_dma source(%dma_start3A_90 : memref<88x128xf32, #tpu.memory_space<hbm>>) target(%arg12 : memref<88x128xf32, #tpu.memory_space<vmem>>) target_semaphore(%arg16 : memref<!tpu.dma_semaphore, #tpu.memory_space<semaphore_mem>>)
      %dma_wait3A_91 = arith.constant 0 : i32
      %dma_wait3A_92 = arith.constant 0 : i32
      %dma_wait3A_93 = tpu.memref_slice %arg3[%dma_wait3A_91, %dma_wait3A_92] : memref<337920x128xf32, #tpu.memory_space<hbm>> -> memref<88x128xf32, #tpu.memory_space<hbm>>
      %dma_wait3A_94 = arith.constant 0 : i32
      %dma_wait3A_95 = arith.constant 0 : i32
      %dma_wait3A_96 = tpu.memref_slice %arg3[%dma_wait3A_94, %dma_wait3A_95] : memref<337920x128xf32, #tpu.memory_space<hbm>> -> memref<88x128xf32, #tpu.memory_space<hbm>>
      tpu.wait_dma2 semaphore(%arg15 : memref<!tpu.dma_semaphore, #tpu.memory_space<semaphore_mem>>) src(%dma_wait3A_96 : memref<88x128xf32, #tpu.memory_space<hbm>>) dst(%arg11 : memref<88x128xf32, #tpu.memory_space<vmem>>)
      %dma_wait3A_97 = arith.constant 0 : i32
      %dma_wait3A_98 = arith.constant 0 : i32
      %dma_wait3A_99 = tpu.memref_slice %arg3[%dma_wait3A_97, %dma_wait3A_98] : memref<337920x128xf32, #tpu.memory_space<hbm>> -> memref<88x128xf32, #tpu.memory_space<hbm>>
      %dma_wait3A_100 = arith.constant 0 : i32
      %dma_wait3A_101 = arith.constant 0 : i32
      %dma_wait3A_102 = tpu.memref_slice %arg3[%dma_wait3A_100, %dma_wait3A_101] : memref<337920x128xf32, #tpu.memory_space<hbm>> -> memref<88x128xf32, #tpu.memory_space<hbm>>
      tpu.wait_dma2 semaphore(%arg16 : memref<!tpu.dma_semaphore, #tpu.memory_space<semaphore_mem>>) src(%dma_wait3A_102 : memref<88x128xf32, #tpu.memory_space<hbm>>) dst(%arg13 : memref<88x128xf32, #tpu.memory_space<vmem>>)
      %scan3A_103 = arith.constant 0 : i32
      %scan3A_104 = arith.constant 0 : i32
      %scan3A_105 = arith.constant 88 : i32
      %scan3A_106 = arith.addi %scan3A_104, %scan3A_105 : i32
      %scan3A_107 = arith.constant 1 : i32
      scf.for %scan3A_373 = %scan3A_104 to %scan3A_106 step %scan3A_107  : i32 {
        %get3A = arith.index_cast %scan3A_373 : i32 to index
        %get3A_374 = arith.constant 0 : index
        %get3A_375 = tpu.vector_load %arg11[%get3A, %get3A_374] {strides = array<i32>} : memref<88x128xf32, #tpu.memory_space<vmem>>, vector<1x16xf32>,
        %get3A_376 = vector.shape_cast %get3A_375 : vector<1x16xf32> to vector<16xf32>
        %get3A_377 = arith.index_cast %scan3A_373 : i32 to index
        %get3A_378 = arith.constant 0 : index
        %get3A_379 = tpu.vector_load %arg13[%get3A_377, %get3A_378] {strides = array<i32>} : memref<88x128xf32, #tpu.memory_space<vmem>>, vector<1x16xf32>,
        %get3A_380 = vector.shape_cast %get3A_379 : vector<1x16xf32> to vector<16xf32>
        %mul3A_381 = arith.mulf %get3A_376, %get3A_380 : vector<16xf32>
        %swap3A = arith.index_cast %scan3A_373 : i32 to index
        %swap3A_382 = arith.constant 0 : index
        %swap3A_383 = tpu.vector_load %arg11[%swap3A, %swap3A_382] {strides = array<i32>} : memref<88x128xf32, #tpu.memory_space<vmem>>, vector<1x16xf32>,
        %swap3A_384 = vector.shape_cast %swap3A_383 : vector<1x16xf32> to vector<16xf32>
        %swap3A_385 = vector.shape_cast %mul3A_381 : vector<16xf32> to vector<1x16xf32>
        tpu.vector_store %arg11[%swap3A, %swap3A_382], %swap3A_385 {strides = array<i32>} : memref<88x128xf32, #tpu.memory_space<vmem>>, vector<1x16xf32>,
        %get3A_386 = arith.index_cast %scan3A_373 : i32 to index
        %get3A_387 = arith.constant 16 : index
        %get3A_388 = tpu.vector_load %arg11[%get3A_386, %get3A_387] {strides = array<i32>} : memref<88x128xf32, #tpu.memory_space<vmem>>, vector<1x16xf32>,
        %get3A_389 = vector.shape_cast %get3A_388 : vector<1x16xf32> to vector<16xf32>
        %get3A_390 = arith.index_cast %scan3A_373 : i32 to index
        %get3A_391 = arith.constant 16 : index
        %get3A_392 = tpu.vector_load %arg13[%get3A_390, %get3A_391] {strides = array<i32>} : memref<88x128xf32, #tpu.memory_space<vmem>>, vector<1x16xf32>,
        %get3A_393 = vector.shape_cast %get3A_392 : vector<1x16xf32> to vector<16xf32>
        %mul3A_394 = arith.mulf %get3A_389, %get3A_393 : vector<16xf32>
        %swap3A_395 = arith.index_cast %scan3A_373 : i32 to index
        %swap3A_396 = arith.constant 16 : index
        %swap3A_397 = tpu.vector_load %arg11[%swap3A_395, %swap3A_396] {strides = array<i32>} : memref<88x128xf32, #tpu.memory_space<vmem>>, vector<1x16xf32>,
        %swap3A_398 = vector.shape_cast %swap3A_397 : vector<1x16xf32> to vector<16xf32>
        %swap3A_399 = vector.shape_cast %mul3A_394 : vector<16xf32> to vector<1x16xf32>
        tpu.vector_store %arg11[%swap3A_395, %swap3A_396], %swap3A_399 {strides = array<i32>} : memref<88x128xf32, #tpu.memory_space<vmem>>, vector<1x16xf32>,
        %get3A_400 = arith.index_cast %scan3A_373 : i32 to index
        %get3A_401 = arith.constant 32 : index
        %get3A_402 = tpu.vector_load %arg11[%get3A_400, %get3A_401] {strides = array<i32>} : memref<88x128xf32, #tpu.memory_space<vmem>>, vector<1x16xf32>,
        %get3A_403 = vector.shape_cast %get3A_402 : vector<1x16xf32> to vector<16xf32>
        %get3A_404 = arith.index_cast %scan3A_373 : i32 to index
        %get3A_405 = arith.constant 32 : index
        %get3A_406 = tpu.vector_load %arg13[%get3A_404, %get3A_405] {strides = array<i32>} : memref<88x128xf32, #tpu.memory_space<vmem>>, vector<1x16xf32>,
        %get3A_407 = vector.shape_cast %get3A_406 : vector<1x16xf32> to vector<16xf32>
        %mul3A_408 = arith.mulf %get3A_403, %get3A_407 : vector<16xf32>
        %swap3A_409 = arith.index_cast %scan3A_373 : i32 to index
        %swap3A_410 = arith.constant 32 : index
        %swap3A_411 = tpu.vector_load %arg11[%swap3A_409, %swap3A_410] {strides = array<i32>} : memref<88x128xf32, #tpu.memory_space<vmem>>, vector<1x16xf32>,
        %swap3A_412 = vector.shape_cast %swap3A_411 : vector<1x16xf32> to vector<16xf32>
        %swap3A_413 = vector.shape_cast %mul3A_408 : vector<16xf32> to vector<1x16xf32>
        tpu.vector_store %arg11[%swap3A_409, %swap3A_410], %swap3A_413 {strides = array<i32>} : memref<88x128xf32, #tpu.memory_space<vmem>>, vector<1x16xf32>,
        %get3A_414 = arith.index_cast %scan3A_373 : i32 to index
        %get3A_415 = arith.constant 48 : index
        %get3A_416 = tpu.vector_load %arg11[%get3A_414, %get3A_415] {strides = array<i32>} : memref<88x128xf32, #tpu.memory_space<vmem>>, vector<1x16xf32>,
        %get3A_417 = vector.shape_cast %get3A_416 : vector<1x16xf32> to vector<16xf32>
        %get3A_418 = arith.index_cast %scan3A_373 : i32 to index
        %get3A_419 = arith.constant 48 : index
        %get3A_420 = tpu.vector_load %arg13[%get3A_418, %get3A_419] {strides = array<i32>} : memref<88x128xf32, #tpu.memory_space<vmem>>, vector<1x16xf32>,
        %get3A_421 = vector.shape_cast %get3A_420 : vector<1x16xf32> to vector<16xf32>
        %mul3A_422 = arith.mulf %get3A_417, %get3A_421 : vector<16xf32>
        %swap3A_423 = arith.index_cast %scan3A_373 : i32 to index
        %swap3A_424 = arith.constant 48 : index
        %swap3A_425 = tpu.vector_load %arg11[%swap3A_423, %swap3A_424] {strides = array<i32>} : memref<88x128xf32, #tpu.memory_space<vmem>>, vector<1x16xf32>,
        %swap3A_426 = vector.shape_cast %swap3A_425 : vector<1x16xf32> to vector<16xf32>
        %swap3A_427 = vector.shape_cast %mul3A_422 : vector<16xf32> to vector<1x16xf32>
        tpu.vector_store %arg11[%swap3A_423, %swap3A_424], %swap3A_427 {strides = array<i32>} : memref<88x128xf32, #tpu.memory_space<vmem>>, vector<1x16xf32>,
        %get3A_428 = arith.index_cast %scan3A_373 : i32 to index
        %get3A_429 = arith.constant 64 : index
        %get3A_430 = tpu.vector_load %arg11[%get3A_428, %get3A_429] {strides = array<i32>} : memref<88x128xf32, #tpu.memory_space<vmem>>, vector<1x16xf32>,
        %get3A_431 = vector.shape_cast %get3A_430 : vector<1x16xf32> to vector<16xf32>
        %get3A_432 = arith.index_cast %scan3A_373 : i32 to index
        %get3A_433 = arith.constant 64 : index
        %get3A_434 = tpu.vector_load %arg13[%get3A_432, %get3A_433] {strides = array<i32>} : memref<88x128xf32, #tpu.memory_space<vmem>>, vector<1x16xf32>,
        %get3A_435 = vector.shape_cast %get3A_434 : vector<1x16xf32> to vector<16xf32>
        %mul3A_436 = arith.mulf %get3A_431, %get3A_435 : vector<16xf32>
        %swap3A_437 = arith.index_cast %scan3A_373 : i32 to index
        %swap3A_438 = arith.constant 64 : index
        %swap3A_439 = tpu.vector_load %arg11[%swap3A_437, %swap3A_438] {strides = array<i32>} : memref<88x128xf32, #tpu.memory_space<vmem>>, vector<1x16xf32>,
        %swap3A_440 = vector.shape_cast %swap3A_439 : vector<1x16xf32> to vector<16xf32>
        %swap3A_441 = vector.shape_cast %mul3A_436 : vector<16xf32> to vector<1x16xf32>
        tpu.vector_store %arg11[%swap3A_437, %swap3A_438], %swap3A_441 {strides = array<i32>} : memref<88x128xf32, #tpu.memory_space<vmem>>, vector<1x16xf32>,
        %get3A_442 = arith.index_cast %scan3A_373 : i32 to index
        %get3A_443 = arith.constant 80 : index
        %get3A_444 = tpu.vector_load %arg11[%get3A_442, %get3A_443] {strides = array<i32>} : memref<88x128xf32, #tpu.memory_space<vmem>>, vector<1x16xf32>,
        %get3A_445 = vector.shape_cast %get3A_444 : vector<1x16xf32> to vector<16xf32>
        %get3A_446 = arith.index_cast %scan3A_373 : i32 to index
        %get3A_447 = arith.constant 80 : index
        %get3A_448 = tpu.vector_load %arg13[%get3A_446, %get3A_447] {strides = array<i32>} : memref<88x128xf32, #tpu.memory_space<vmem>>, vector<1x16xf32>,
        %get3A_449 = vector.shape_cast %get3A_448 : vector<1x16xf32> to vector<16xf32>
        %mul3A_450 = arith.mulf %get3A_445, %get3A_449 : vector<16xf32>
        %swap3A_451 = arith.index_cast %scan3A_373 : i32 to index
        %swap3A_452 = arith.constant 80 : index
        %swap3A_453 = tpu.vector_load %arg11[%swap3A_451, %swap3A_452] {strides = array<i32>} : memref<88x128xf32, #tpu.memory_space<vmem>>, vector<1x16xf32>,
        %swap3A_454 = vector.shape_cast %swap3A_453 : vector<1x16xf32> to vector<16xf32>
        %swap3A_455 = vector.shape_cast %mul3A_450 : vector<16xf32> to vector<1x16xf32>
        tpu.vector_store %arg11[%swap3A_451, %swap3A_452], %swap3A_455 {strides = array<i32>} : memref<88x128xf32, #tpu.memory_space<vmem>>, vector<1x16xf32>,
        %get3A_456 = arith.index_cast %scan3A_373 : i32 to index
        %get3A_457 = arith.constant 96 : index
        %get3A_458 = tpu.vector_load %arg11[%get3A_456, %get3A_457] {strides = array<i32>} : memref<88x128xf32, #tpu.memory_space<vmem>>, vector<1x16xf32>,
        %get3A_459 = vector.shape_cast %get3A_458 : vector<1x16xf32> to vector<16xf32>
        %get3A_460 = arith.index_cast %scan3A_373 : i32 to index
        %get3A_461 = arith.constant 96 : index
        %get3A_462 = tpu.vector_load %arg13[%get3A_460, %get3A_461] {strides = array<i32>} : memref<88x128xf32, #tpu.memory_space<vmem>>, vector<1x16xf32>,
        %get3A_463 = vector.shape_cast %get3A_462 : vector<1x16xf32> to vector<16xf32>
        %mul3A_464 = arith.mulf %get3A_459, %get3A_463 : vector<16xf32>
        %swap3A_465 = arith.index_cast %scan3A_373 : i32 to index
        %swap3A_466 = arith.constant 96 : index
        %swap3A_467 = tpu.vector_load %arg11[%swap3A_465, %swap3A_466] {strides = array<i32>} : memref<88x128xf32, #tpu.memory_space<vmem>>, vector<1x16xf32>,
        %swap3A_468 = vector.shape_cast %swap3A_467 : vector<1x16xf32> to vector<16xf32>
        %swap3A_469 = vector.shape_cast %mul3A_464 : vector<16xf32> to vector<1x16xf32>
        tpu.vector_store %arg11[%swap3A_465, %swap3A_466], %swap3A_469 {strides = array<i32>} : memref<88x128xf32, #tpu.memory_space<vmem>>, vector<1x16xf32>,
        %get3A_470 = arith.index_cast %scan3A_373 : i32 to index
        %get3A_471 = arith.constant 112 : index
        %get3A_472 = tpu.vector_load %arg11[%get3A_470, %get3A_471] {strides = array<i32>} : memref<88x128xf32, #tpu.memory_space<vmem>>, vector<1x16xf32>,
        %get3A_473 = vector.shape_cast %get3A_472 : vector<1x16xf32> to vector<16xf32>
        %get3A_474 = arith.index_cast %scan3A_373 : i32 to index
        %get3A_475 = arith.constant 112 : index
        %get3A_476 = tpu.vector_load %arg13[%get3A_474, %get3A_475] {strides = array<i32>} : memref<88x128xf32, #tpu.memory_space<vmem>>, vector<1x16xf32>,
        %get3A_477 = vector.shape_cast %get3A_476 : vector<1x16xf32> to vector<16xf32>
        %mul3A_478 = arith.mulf %get3A_473, %get3A_477 : vector<16xf32>
        %swap3A_479 = arith.index_cast %scan3A_373 : i32 to index
        %swap3A_480 = arith.constant 112 : index
        %swap3A_481 = tpu.vector_load %arg11[%swap3A_479, %swap3A_480] {strides = array<i32>} : memref<88x128xf32, #tpu.memory_space<vmem>>, vector<1x16xf32>,
        %swap3A_482 = vector.shape_cast %swap3A_481 : vector<1x16xf32> to vector<16xf32>
        %swap3A_483 = vector.shape_cast %mul3A_478 : vector<16xf32> to vector<1x16xf32>
        tpu.vector_store %arg11[%swap3A_479, %swap3A_480], %swap3A_483 {strides = array<i32>} : memref<88x128xf32, #tpu.memory_space<vmem>>, vector<1x16xf32>,
      }
      %scan3A_108 = arith.constant 88 : i32
      %dma_start3A_109 = arith.constant 1 : i32
      %dma_start3A_110 = arith.constant 0 : i32
      %dma_start3A_111 = tpu.memref_slice %arg9[%dma_start3A_109, %dma_start3A_110] : memref<8x88xi32, #tpu.memory_space<vmem>> -> memref<1x88xi32, #tpu.memory_space<vmem>>
      %dma_start3A_112 = tpu.memref_squeeze %dma_start3A_111 : memref<1x88xi32, #tpu.memory_space<vmem>> -> memref<88xi32, #tpu.memory_space<vmem>>
      %dma_start3A_113 = arith.constant 0 : i32
      %dma_start3A_114 = arith.constant 0 : i32
      %dma_start3A_115 = tpu.memref_slice %arg14[%dma_start3A_113, %dma_start3A_114] : memref<10112x128xf32, #tpu.memory_space<vmem_shared>> -> memref<10112x128xf32, #tpu.memory_space<vmem_shared>>
      tpu.enqueue_indirect_dma source(%arg11 : memref<88x128xf32, #tpu.memory_space<vmem>>) target(%dma_start3A_115 : memref<10112x128xf32, #tpu.memory_space<vmem_shared>>) offsets(%dma_start3A_112 : memref<88xi32, #tpu.memory_space<vmem>>) semaphore(%arg17 : memref<!tpu.dma_semaphore, #tpu.memory_space<semaphore_mem>>) {add = true}
      %dma_wait3A_116 = arith.constant 0 : i32
      %dma_wait3A_117 = arith.constant 0 : i32
      %dma_wait3A_118 = tpu.memref_slice %arg14[%dma_wait3A_116, %dma_wait3A_117] : memref<10112x128xf32, #tpu.memory_space<vmem_shared>> -> memref<88x128xf32, #tpu.memory_space<vmem_shared>>
      %dma_wait3A_119 = arith.constant 0 : i32
      %dma_wait3A_120 = arith.constant 0 : i32
      %dma_wait3A_121 = tpu.memref_slice %arg2[%dma_wait3A_119, %dma_wait3A_120] : memref<10000x128xf32, #tpu.memory_space<hbm>> -> memref<88x128xf32, #tpu.memory_space<hbm>>
      tpu.wait_dma2 semaphore(%arg17 : memref<!tpu.dma_semaphore, #tpu.memory_space<semaphore_mem>>) src(%dma_wait3A_121 : memref<88x128xf32, #tpu.memory_space<hbm>>) dst(%dma_wait3A_118 : memref<88x128xf32, #tpu.memory_space<vmem_shared>>)
      %dma_start3A_122 = arith.constant 3 : i32
      %dma_start3A_123 = arith.constant 0 : i32
      %dma_start3A_124 = tpu.memref_slice %arg8[%dma_start3A_122, %dma_start3A_123] : memref<8x88xi32, #tpu.memory_space<vmem>> -> memref<1x88xi32, #tpu.memory_space<vmem>>
      %dma_start3A_125 = tpu.memref_squeeze %dma_start3A_124 : memref<1x88xi32, #tpu.memory_space<vmem>> -> memref<88xi32, #tpu.memory_space<vmem>>
      %dma_start3A_126 = arith.constant 0 : i32
      %dma_start3A_127 = arith.constant 0 : i32
      %dma_start3A_128 = tpu.memref_slice %arg2[%dma_start3A_126, %dma_start3A_127] : memref<10000x128xf32, #tpu.memory_space<hbm>> -> memref<10000x128xf32, #tpu.memory_space<hbm>>
      tpu.enqueue_indirect_dma source(%dma_start3A_128 : memref<10000x128xf32, #tpu.memory_space<hbm>>) target(%arg11 : memref<88x128xf32, #tpu.memory_space<vmem>>) offsets(%dma_start3A_125 : memref<88xi32, #tpu.memory_space<vmem>>) semaphore(%arg15 : memref<!tpu.dma_semaphore, #tpu.memory_space<semaphore_mem>>)
      %add3A_129 = arith.constant 264 : i32
      %add3A_130 = arith.addi %mul3A_22, %add3A_129 : i32
      %dma_start3A_131 = arith.constant 0 : i32
      %dma_start3A_132 = tpu.memref_slice %arg3[%add3A_130, %dma_start3A_131] : memref<337920x128xf32, #tpu.memory_space<hbm>> -> memref<88x128xf32, #tpu.memory_space<hbm>>
      %dma_start3A_133 = arith.constant 0 : i32
      %dma_start3A_134 = tpu.memref_slice %arg3[%add3A_130, %dma_start3A_133] : memref<337920x128xf32, #tpu.memory_space<hbm>> -> memref<88x128xf32, #tpu.memory_space<hbm>>
      tpu.enqueue_dma source(%dma_start3A_134 : memref<88x128xf32, #tpu.memory_space<hbm>>) target(%arg13 : memref<88x128xf32, #tpu.memory_space<vmem>>) target_semaphore(%arg16 : memref<!tpu.dma_semaphore, #tpu.memory_space<semaphore_mem>>)
      %dma_wait3A_135 = arith.constant 0 : i32
      %dma_wait3A_136 = arith.constant 0 : i32
      %dma_wait3A_137 = tpu.memref_slice %arg3[%dma_wait3A_135, %dma_wait3A_136] : memref<337920x128xf32, #tpu.memory_space<hbm>> -> memref<88x128xf32, #tpu.memory_space<hbm>>
      %dma_wait3A_138 = arith.constant 0 : i32
      %dma_wait3A_139 = arith.constant 0 : i32
      %dma_wait3A_140 = tpu.memref_slice %arg3[%dma_wait3A_138, %dma_wait3A_139] : memref<337920x128xf32, #tpu.memory_space<hbm>> -> memref<88x128xf32, #tpu.memory_space<hbm>>
      tpu.wait_dma2 semaphore(%arg15 : memref<!tpu.dma_semaphore, #tpu.memory_space<semaphore_mem>>) src(%dma_wait3A_140 : memref<88x128xf32, #tpu.memory_space<hbm>>) dst(%arg10 : memref<88x128xf32, #tpu.memory_space<vmem>>)
      %dma_wait3A_141 = arith.constant 0 : i32
      %dma_wait3A_142 = arith.constant 0 : i32
      %dma_wait3A_143 = tpu.memref_slice %arg3[%dma_wait3A_141, %dma_wait3A_142] : memref<337920x128xf32, #tpu.memory_space<hbm>> -> memref<88x128xf32, #tpu.memory_space<hbm>>
      %dma_wait3A_144 = arith.constant 0 : i32
      %dma_wait3A_145 = arith.constant 0 : i32
      %dma_wait3A_146 = tpu.memref_slice %arg3[%dma_wait3A_144, %dma_wait3A_145] : memref<337920x128xf32, #tpu.memory_space<hbm>> -> memref<88x128xf32, #tpu.memory_space<hbm>>
      tpu.wait_dma2 semaphore(%arg16 : memref<!tpu.dma_semaphore, #tpu.memory_space<semaphore_mem>>) src(%dma_wait3A_146 : memref<88x128xf32, #tpu.memory_space<hbm>>) dst(%arg12 : memref<88x128xf32, #tpu.memory_space<vmem>>)
      %scan3A_147 = arith.constant 0 : i32
      %scan3A_148 = arith.constant 0 : i32
      %scan3A_149 = arith.constant 88 : i32
      %scan3A_150 = arith.addi %scan3A_148, %scan3A_149 : i32
      %scan3A_151 = arith.constant 1 : i32
      scf.for %scan3A_373 = %scan3A_148 to %scan3A_150 step %scan3A_151  : i32 {
        %get3A = arith.index_cast %scan3A_373 : i32 to index
        %get3A_374 = arith.constant 0 : index
        %get3A_375 = tpu.vector_load %arg10[%get3A, %get3A_374] {strides = array<i32>} : memref<88x128xf32, #tpu.memory_space<vmem>>, vector<1x16xf32>,
        %get3A_376 = vector.shape_cast %get3A_375 : vector<1x16xf32> to vector<16xf32>
        %get3A_377 = arith.index_cast %scan3A_373 : i32 to index
        %get3A_378 = arith.constant 0 : index
        %get3A_379 = tpu.vector_load %arg12[%get3A_377, %get3A_378] {strides = array<i32>} : memref<88x128xf32, #tpu.memory_space<vmem>>, vector<1x16xf32>,
        %get3A_380 = vector.shape_cast %get3A_379 : vector<1x16xf32> to vector<16xf32>
        %mul3A_381 = arith.mulf %get3A_376, %get3A_380 : vector<16xf32>
        %swap3A = arith.index_cast %scan3A_373 : i32 to index
        %swap3A_382 = arith.constant 0 : index
        %swap3A_383 = tpu.vector_load %arg10[%swap3A, %swap3A_382] {strides = array<i32>} : memref<88x128xf32, #tpu.memory_space<vmem>>, vector<1x16xf32>,
        %swap3A_384 = vector.shape_cast %swap3A_383 : vector<1x16xf32> to vector<16xf32>
        %swap3A_385 = vector.shape_cast %mul3A_381 : vector<16xf32> to vector<1x16xf32>
        tpu.vector_store %arg10[%swap3A, %swap3A_382], %swap3A_385 {strides = array<i32>} : memref<88x128xf32, #tpu.memory_space<vmem>>, vector<1x16xf32>,
        %get3A_386 = arith.index_cast %scan3A_373 : i32 to index
        %get3A_387 = arith.constant 16 : index
        %get3A_388 = tpu.vector_load %arg10[%get3A_386, %get3A_387] {strides = array<i32>} : memref<88x128xf32, #tpu.memory_space<vmem>>, vector<1x16xf32>,
        %get3A_389 = vector.shape_cast %get3A_388 : vector<1x16xf32> to vector<16xf32>
        %get3A_390 = arith.index_cast %scan3A_373 : i32 to index
        %get3A_391 = arith.constant 16 : index
        %get3A_392 = tpu.vector_load %arg12[%get3A_390, %get3A_391] {strides = array<i32>} : memref<88x128xf32, #tpu.memory_space<vmem>>, vector<1x16xf32>,
        %get3A_393 = vector.shape_cast %get3A_392 : vector<1x16xf32> to vector<16xf32>
        %mul3A_394 = arith.mulf %get3A_389, %get3A_393 : vector<16xf32>
        %swap3A_395 = arith.index_cast %scan3A_373 : i32 to index
        %swap3A_396 = arith.constant 16 : index
        %swap3A_397 = tpu.vector_load %arg10[%swap3A_395, %swap3A_396] {strides = array<i32>} : memref<88x128xf32, #tpu.memory_space<vmem>>, vector<1x16xf32>,
        %swap3A_398 = vector.shape_cast %swap3A_397 : vector<1x16xf32> to vector<16xf32>
        %swap3A_399 = vector.shape_cast %mul3A_394 : vector<16xf32> to vector<1x16xf32>
        tpu.vector_store %arg10[%swap3A_395, %swap3A_396], %swap3A_399 {strides = array<i32>} : memref<88x128xf32, #tpu.memory_space<vmem>>, vector<1x16xf32>,
        %get3A_400 = arith.index_cast %scan3A_373 : i32 to index
        %get3A_401 = arith.constant 32 : index
        %get3A_402 = tpu.vector_load %arg10[%get3A_400, %get3A_401] {strides = array<i32>} : memref<88x128xf32, #tpu.memory_space<vmem>>, vector<1x16xf32>,
        %get3A_403 = vector.shape_cast %get3A_402 : vector<1x16xf32> to vector<16xf32>
        %get3A_404 = arith.index_cast %scan3A_373 : i32 to index
        %get3A_405 = arith.constant 32 : index
        %get3A_406 = tpu.vector_load %arg12[%get3A_404, %get3A_405] {strides = array<i32>} : memref<88x128xf32, #tpu.memory_space<vmem>>, vector<1x16xf32>,
        %get3A_407 = vector.shape_cast %get3A_406 : vector<1x16xf32> to vector<16xf32>
        %mul3A_408 = arith.mulf %get3A_403, %get3A_407 : vector<16xf32>
        %swap3A_409 = arith.index_cast %scan3A_373 : i32 to index
        %swap3A_410 = arith.constant 32 : index
        %swap3A_411 = tpu.vector_load %arg10[%swap3A_409, %swap3A_410] {strides = array<i32>} : memref<88x128xf32, #tpu.memory_space<vmem>>, vector<1x16xf32>,
        %swap3A_412 = vector.shape_cast %swap3A_411 : vector<1x16xf32> to vector<16xf32>
        %swap3A_413 = vector.shape_cast %mul3A_408 : vector<16xf32> to vector<1x16xf32>
        tpu.vector_store %arg10[%swap3A_409, %swap3A_410], %swap3A_413 {strides = array<i32>} : memref<88x128xf32, #tpu.memory_space<vmem>>, vector<1x16xf32>,
        %get3A_414 = arith.index_cast %scan3A_373 : i32 to index
        %get3A_415 = arith.constant 48 : index
        %get3A_416 = tpu.vector_load %arg10[%get3A_414, %get3A_415] {strides = array<i32>} : memref<88x128xf32, #tpu.memory_space<vmem>>, vector<1x16xf32>,
        %get3A_417 = vector.shape_cast %get3A_416 : vector<1x16xf32> to vector<16xf32>
        %get3A_418 = arith.index_cast %scan3A_373 : i32 to index
        %get3A_419 = arith.constant 48 : index
        %get3A_420 = tpu.vector_load %arg12[%get3A_418, %get3A_419] {strides = array<i32>} : memref<88x128xf32, #tpu.memory_space<vmem>>, vector<1x16xf32>,
        %get3A_421 = vector.shape_cast %get3A_420 : vector<1x16xf32> to vector<16xf32>
        %mul3A_422 = arith.mulf %get3A_417, %get3A_421 : vector<16xf32>
        %swap3A_423 = arith.index_cast %scan3A_373 : i32 to index
        %swap3A_424 = arith.constant 48 : index
        %swap3A_425 = tpu.vector_load %arg10[%swap3A_423, %swap3A_424] {strides = array<i32>} : memref<88x128xf32, #tpu.memory_space<vmem>>, vector<1x16xf32>,
        %swap3A_426 = vector.shape_cast %swap3A_425 : vector<1x16xf32> to vector<16xf32>
        %swap3A_427 = vector.shape_cast %mul3A_422 : vector<16xf32> to vector<1x16xf32>
        tpu.vector_store %arg10[%swap3A_423, %swap3A_424], %swap3A_427 {strides = array<i32>} : memref<88x128xf32, #tpu.memory_space<vmem>>, vector<1x16xf32>,
        %get3A_428 = arith.index_cast %scan3A_373 : i32 to index
        %get3A_429 = arith.constant 64 : index
        %get3A_430 = tpu.vector_load %arg10[%get3A_428, %get3A_429] {strides = array<i32>} : memref<88x128xf32, #tpu.memory_space<vmem>>, vector<1x16xf32>,
        %get3A_431 = vector.shape_cast %get3A_430 : vector<1x16xf32> to vector<16xf32>
        %get3A_432 = arith.index_cast %scan3A_373 : i32 to index
        %get3A_433 = arith.constant 64 : index
        %get3A_434 = tpu.vector_load %arg12[%get3A_432, %get3A_433] {strides = array<i32>} : memref<88x128xf32, #tpu.memory_space<vmem>>, vector<1x16xf32>,
        %get3A_435 = vector.shape_cast %get3A_434 : vector<1x16xf32> to vector<16xf32>
        %mul3A_436 = arith.mulf %get3A_431, %get3A_435 : vector<16xf32>
        %swap3A_437 = arith.index_cast %scan3A_373 : i32 to index
        %swap3A_438 = arith.constant 64 : index
        %swap3A_439 = tpu.vector_load %arg10[%swap3A_437, %swap3A_438] {strides = array<i32>} : memref<88x128xf32, #tpu.memory_space<vmem>>, vector<1x16xf32>,
        %swap3A_440 = vector.shape_cast %swap3A_439 : vector<1x16xf32> to vector<16xf32>
        %swap3A_441 = vector.shape_cast %mul3A_436 : vector<16xf32> to vector<1x16xf32>
        tpu.vector_store %arg10[%swap3A_437, %swap3A_438], %swap3A_441 {strides = array<i32>} : memref<88x128xf32, #tpu.memory_space<vmem>>, vector<1x16xf32>,
        %get3A_442 = arith.index_cast %scan3A_373 : i32 to index
        %get3A_443 = arith.constant 80 : index
        %get3A_444 = tpu.vector_load %arg10[%get3A_442, %get3A_443] {strides = array<i32>} : memref<88x128xf32, #tpu.memory_space<vmem>>, vector<1x16xf32>,
        %get3A_445 = vector.shape_cast %get3A_444 : vector<1x16xf32> to vector<16xf32>
        %get3A_446 = arith.index_cast %scan3A_373 : i32 to index
        %get3A_447 = arith.constant 80 : index
        %get3A_448 = tpu.vector_load %arg12[%get3A_446, %get3A_447] {strides = array<i32>} : memref<88x128xf32, #tpu.memory_space<vmem>>, vector<1x16xf32>,
        %get3A_449 = vector.shape_cast %get3A_448 : vector<1x16xf32> to vector<16xf32>
        %mul3A_450 = arith.mulf %get3A_445, %get3A_449 : vector<16xf32>
        %swap3A_451 = arith.index_cast %scan3A_373 : i32 to index
        %swap3A_452 = arith.constant 80 : index
        %swap3A_453 = tpu.vector_load %arg10[%swap3A_451, %swap3A_452] {strides = array<i32>} : memref<88x128xf32, #tpu.memory_space<vmem>>, vector<1x16xf32>,
        %swap3A_454 = vector.shape_cast %swap3A_453 : vector<1x16xf32> to vector<16xf32>
        %swap3A_455 = vector.shape_cast %mul3A_450 : vector<16xf32> to vector<1x16xf32>
        tpu.vector_store %arg10[%swap3A_451, %swap3A_452], %swap3A_455 {strides = array<i32>} : memref<88x128xf32, #tpu.memory_space<vmem>>, vector<1x16xf32>,
        %get3A_456 = arith.index_cast %scan3A_373 : i32 to index
        %get3A_457 = arith.constant 96 : index
        %get3A_458 = tpu.vector_load %arg10[%get3A_456, %get3A_457] {strides = array<i32>} : memref<88x128xf32, #tpu.memory_space<vmem>>, vector<1x16xf32>,
        %get3A_459 = vector.shape_cast %get3A_458 : vector<1x16xf32> to vector<16xf32>
        %get3A_460 = arith.index_cast %scan3A_373 : i32 to index
        %get3A_461 = arith.constant 96 : index
        %get3A_462 = tpu.vector_load %arg12[%get3A_460, %get3A_461] {strides = array<i32>} : memref<88x128xf32, #tpu.memory_space<vmem>>, vector<1x16xf32>,
        %get3A_463 = vector.shape_cast %get3A_462 : vector<1x16xf32> to vector<16xf32>
        %mul3A_464 = arith.mulf %get3A_459, %get3A_463 : vector<16xf32>
        %swap3A_465 = arith.index_cast %scan3A_373 : i32 to index
        %swap3A_466 = arith.constant 96 : index
        %swap3A_467 = tpu.vector_load %arg10[%swap3A_465, %swap3A_466] {strides = array<i32>} : memref<88x128xf32, #tpu.memory_space<vmem>>, vector<1x16xf32>,
        %swap3A_468 = vector.shape_cast %swap3A_467 : vector<1x16xf32> to vector<16xf32>
        %swap3A_469 = vector.shape_cast %mul3A_464 : vector<16xf32> to vector<1x16xf32>
        tpu.vector_store %arg10[%swap3A_465, %swap3A_466], %swap3A_469 {strides = array<i32>} : memref<88x128xf32, #tpu.memory_space<vmem>>, vector<1x16xf32>,
        %get3A_470 = arith.index_cast %scan3A_373 : i32 to index
        %get3A_471 = arith.constant 112 : index
        %get3A_472 = tpu.vector_load %arg10[%get3A_470, %get3A_471] {strides = array<i32>} : memref<88x128xf32, #tpu.memory_space<vmem>>, vector<1x16xf32>,
        %get3A_473 = vector.shape_cast %get3A_472 : vector<1x16xf32> to vector<16xf32>
        %get3A_474 = arith.index_cast %scan3A_373 : i32 to index
        %get3A_475 = arith.constant 112 : index
        %get3A_476 = tpu.vector_load %arg12[%get3A_474, %get3A_475] {strides = array<i32>} : memref<88x128xf32, #tpu.memory_space<vmem>>, vector<1x16xf32>,
        %get3A_477 = vector.shape_cast %get3A_476 : vector<1x16xf32> to vector<16xf32>
        %mul3A_478 = arith.mulf %get3A_473, %get3A_477 : vector<16xf32>
        %swap3A_479 = arith.index_cast %scan3A_373 : i32 to index
        %swap3A_480 = arith.constant 112 : index
        %swap3A_481 = tpu.vector_load %arg10[%swap3A_479, %swap3A_480] {strides = array<i32>} : memref<88x128xf32, #tpu.memory_space<vmem>>, vector<1x16xf32>,
        %swap3A_482 = vector.shape_cast %swap3A_481 : vector<1x16xf32> to vector<16xf32>
        %swap3A_483 = vector.shape_cast %mul3A_478 : vector<16xf32> to vector<1x16xf32>
        tpu.vector_store %arg10[%swap3A_479, %swap3A_480], %swap3A_483 {strides = array<i32>} : memref<88x128xf32, #tpu.memory_space<vmem>>, vector<1x16xf32>,
      }
      %scan3A_152 = arith.constant 88 : i32
      %dma_start3A_153 = arith.constant 2 : i32
      %dma_start3A_154 = arith.constant 0 : i32
      %dma_start3A_155 = tpu.memref_slice %arg9[%dma_start3A_153, %dma_start3A_154] : memref<8x88xi32, #tpu.memory_space<vmem>> -> memref<1x88xi32, #tpu.memory_space<vmem>>
      %dma_start3A_156 = tpu.memref_squeeze %dma_start3A_155 : memref<1x88xi32, #tpu.memory_space<vmem>> -> memref<88xi32, #tpu.memory_space<vmem>>
      %dma_start3A_157 = arith.constant 0 : i32
      %dma_start3A_158 = arith.constant 0 : i32
      %dma_start3A_159 = tpu.memref_slice %arg14[%dma_start3A_157, %dma_start3A_158] : memref<10112x128xf32, #tpu.memory_space<vmem_shared>> -> memref<10112x128xf32, #tpu.memory_space<vmem_shared>>
      tpu.enqueue_indirect_dma source(%arg10 : memref<88x128xf32, #tpu.memory_space<vmem>>) target(%dma_start3A_159 : memref<10112x128xf32, #tpu.memory_space<vmem_shared>>) offsets(%dma_start3A_156 : memref<88xi32, #tpu.memory_space<vmem>>) semaphore(%arg17 : memref<!tpu.dma_semaphore, #tpu.memory_space<semaphore_mem>>) {add = true}
      %dma_wait3A_160 = arith.constant 0 : i32
      %dma_wait3A_161 = arith.constant 0 : i32
      %dma_wait3A_162 = tpu.memref_slice %arg14[%dma_wait3A_160, %dma_wait3A_161] : memref<10112x128xf32, #tpu.memory_space<vmem_shared>> -> memref<88x128xf32, #tpu.memory_space<vmem_shared>>
      %dma_wait3A_163 = arith.constant 0 : i32
      %dma_wait3A_164 = arith.constant 0 : i32
      %dma_wait3A_165 = tpu.memref_slice %arg2[%dma_wait3A_163, %dma_wait3A_164] : memref<10000x128xf32, #tpu.memory_space<hbm>> -> memref<88x128xf32, #tpu.memory_space<hbm>>
      tpu.wait_dma2 semaphore(%arg17 : memref<!tpu.dma_semaphore, #tpu.memory_space<semaphore_mem>>) src(%dma_wait3A_165 : memref<88x128xf32, #tpu.memory_space<hbm>>) dst(%dma_wait3A_162 : memref<88x128xf32, #tpu.memory_space<vmem_shared>>)
      %dma_start3A_166 = arith.constant 4 : i32
      %dma_start3A_167 = arith.constant 0 : i32
      %dma_start3A_168 = tpu.memref_slice %arg8[%dma_start3A_166, %dma_start3A_167] : memref<8x88xi32, #tpu.memory_space<vmem>> -> memref<1x88xi32, #tpu.memory_space<vmem>>
      %dma_start3A_169 = tpu.memref_squeeze %dma_start3A_168 : memref<1x88xi32, #tpu.memory_space<vmem>> -> memref<88xi32, #tpu.memory_space<vmem>>
      %dma_start3A_170 = arith.constant 0 : i32
      %dma_start3A_171 = arith.constant 0 : i32
      %dma_start3A_172 = tpu.memref_slice %arg2[%dma_start3A_170, %dma_start3A_171] : memref<10000x128xf32, #tpu.memory_space<hbm>> -> memref<10000x128xf32, #tpu.memory_space<hbm>>
      tpu.enqueue_indirect_dma source(%dma_start3A_172 : memref<10000x128xf32, #tpu.memory_space<hbm>>) target(%arg10 : memref<88x128xf32, #tpu.memory_space<vmem>>) offsets(%dma_start3A_169 : memref<88xi32, #tpu.memory_space<vmem>>) semaphore(%arg15 : memref<!tpu.dma_semaphore, #tpu.memory_space<semaphore_mem>>)
      %add3A_173 = arith.constant 352 : i32
      %add3A_174 = arith.addi %mul3A_22, %add3A_173 : i32
      %dma_start3A_175 = arith.constant 0 : i32
      %dma_start3A_176 = tpu.memref_slice %arg3[%add3A_174, %dma_start3A_175] : memref<337920x128xf32, #tpu.memory_space<hbm>> -> memref<88x128xf32, #tpu.memory_space<hbm>>
      %dma_start3A_177 = arith.constant 0 : i32
      %dma_start3A_178 = tpu.memref_slice %arg3[%add3A_174, %dma_start3A_177] : memref<337920x128xf32, #tpu.memory_space<hbm>> -> memref<88x128xf32, #tpu.memory_space<hbm>>
      tpu.enqueue_dma source(%dma_start3A_178 : memref<88x128xf32, #tpu.memory_space<hbm>>) target(%arg12 : memref<88x128xf32, #tpu.memory_space<vmem>>) target_semaphore(%arg16 : memref<!tpu.dma_semaphore, #tpu.memory_space<semaphore_mem>>)
      %dma_wait3A_179 = arith.constant 0 : i32
      %dma_wait3A_180 = arith.constant 0 : i32
      %dma_wait3A_181 = tpu.memref_slice %arg3[%dma_wait3A_179, %dma_wait3A_180] : memref<337920x128xf32, #tpu.memory_space<hbm>> -> memref<88x128xf32, #tpu.memory_space<hbm>>
      %dma_wait3A_182 = arith.constant 0 : i32
      %dma_wait3A_183 = arith.constant 0 : i32
      %dma_wait3A_184 = tpu.memref_slice %arg3[%dma_wait3A_182, %dma_wait3A_183] : memref<337920x128xf32, #tpu.memory_space<hbm>> -> memref<88x128xf32, #tpu.memory_space<hbm>>
      tpu.wait_dma2 semaphore(%arg15 : memref<!tpu.dma_semaphore, #tpu.memory_space<semaphore_mem>>) src(%dma_wait3A_184 : memref<88x128xf32, #tpu.memory_space<hbm>>) dst(%arg11 : memref<88x128xf32, #tpu.memory_space<vmem>>)
      %dma_wait3A_185 = arith.constant 0 : i32
      %dma_wait3A_186 = arith.constant 0 : i32
      %dma_wait3A_187 = tpu.memref_slice %arg3[%dma_wait3A_185, %dma_wait3A_186] : memref<337920x128xf32, #tpu.memory_space<hbm>> -> memref<88x128xf32, #tpu.memory_space<hbm>>
      %dma_wait3A_188 = arith.constant 0 : i32
      %dma_wait3A_189 = arith.constant 0 : i32
      %dma_wait3A_190 = tpu.memref_slice %arg3[%dma_wait3A_188, %dma_wait3A_189] : memref<337920x128xf32, #tpu.memory_space<hbm>> -> memref<88x128xf32, #tpu.memory_space<hbm>>
      tpu.wait_dma2 semaphore(%arg16 : memref<!tpu.dma_semaphore, #tpu.memory_space<semaphore_mem>>) src(%dma_wait3A_190 : memref<88x128xf32, #tpu.memory_space<hbm>>) dst(%arg13 : memref<88x128xf32, #tpu.memory_space<vmem>>)
      %scan3A_191 = arith.constant 0 : i32
      %scan3A_192 = arith.constant 0 : i32
      %scan3A_193 = arith.constant 88 : i32
      %scan3A_194 = arith.addi %scan3A_192, %scan3A_193 : i32
      %scan3A_195 = arith.constant 1 : i32
      scf.for %scan3A_373 = %scan3A_192 to %scan3A_194 step %scan3A_195  : i32 {
        %get3A = arith.index_cast %scan3A_373 : i32 to index
        %get3A_374 = arith.constant 0 : index
        %get3A_375 = tpu.vector_load %arg11[%get3A, %get3A_374] {strides = array<i32>} : memref<88x128xf32, #tpu.memory_space<vmem>>, vector<1x16xf32>,
        %get3A_376 = vector.shape_cast %get3A_375 : vector<1x16xf32> to vector<16xf32>
        %get3A_377 = arith.index_cast %scan3A_373 : i32 to index
        %get3A_378 = arith.constant 0 : index
        %get3A_379 = tpu.vector_load %arg13[%get3A_377, %get3A_378] {strides = array<i32>} : memref<88x128xf32, #tpu.memory_space<vmem>>, vector<1x16xf32>,
        %get3A_380 = vector.shape_cast %get3A_379 : vector<1x16xf32> to vector<16xf32>
        %mul3A_381 = arith.mulf %get3A_376, %get3A_380 : vector<16xf32>
        %swap3A = arith.index_cast %scan3A_373 : i32 to index
        %swap3A_382 = arith.constant 0 : index
        %swap3A_383 = tpu.vector_load %arg11[%swap3A, %swap3A_382] {strides = array<i32>} : memref<88x128xf32, #tpu.memory_space<vmem>>, vector<1x16xf32>,
        %swap3A_384 = vector.shape_cast %swap3A_383 : vector<1x16xf32> to vector<16xf32>
        %swap3A_385 = vector.shape_cast %mul3A_381 : vector<16xf32> to vector<1x16xf32>
        tpu.vector_store %arg11[%swap3A, %swap3A_382], %swap3A_385 {strides = array<i32>} : memref<88x128xf32, #tpu.memory_space<vmem>>, vector<1x16xf32>,
        %get3A_386 = arith.index_cast %scan3A_373 : i32 to index
        %get3A_387 = arith.constant 16 : index
        %get3A_388 = tpu.vector_load %arg11[%get3A_386, %get3A_387] {strides = array<i32>} : memref<88x128xf32, #tpu.memory_space<vmem>>, vector<1x16xf32>,
        %get3A_389 = vector.shape_cast %get3A_388 : vector<1x16xf32> to vector<16xf32>
        %get3A_390 = arith.index_cast %scan3A_373 : i32 to index
        %get3A_391 = arith.constant 16 : index
        %get3A_392 = tpu.vector_load %arg13[%get3A_390, %get3A_391] {strides = array<i32>} : memref<88x128xf32, #tpu.memory_space<vmem>>, vector<1x16xf32>,
        %get3A_393 = vector.shape_cast %get3A_392 : vector<1x16xf32> to vector<16xf32>
        %mul3A_394 = arith.mulf %get3A_389, %get3A_393 : vector<16xf32>
        %swap3A_395 = arith.index_cast %scan3A_373 : i32 to index
        %swap3A_396 = arith.constant 16 : index
        %swap3A_397 = tpu.vector_load %arg11[%swap3A_395, %swap3A_396] {strides = array<i32>} : memref<88x128xf32, #tpu.memory_space<vmem>>, vector<1x16xf32>,
        %swap3A_398 = vector.shape_cast %swap3A_397 : vector<1x16xf32> to vector<16xf32>
        %swap3A_399 = vector.shape_cast %mul3A_394 : vector<16xf32> to vector<1x16xf32>
        tpu.vector_store %arg11[%swap3A_395, %swap3A_396], %swap3A_399 {strides = array<i32>} : memref<88x128xf32, #tpu.memory_space<vmem>>, vector<1x16xf32>,
        %get3A_400 = arith.index_cast %scan3A_373 : i32 to index
        %get3A_401 = arith.constant 32 : index
        %get3A_402 = tpu.vector_load %arg11[%get3A_400, %get3A_401] {strides = array<i32>} : memref<88x128xf32, #tpu.memory_space<vmem>>, vector<1x16xf32>,
        %get3A_403 = vector.shape_cast %get3A_402 : vector<1x16xf32> to vector<16xf32>
        %get3A_404 = arith.index_cast %scan3A_373 : i32 to index
        %get3A_405 = arith.constant 32 : index
        %get3A_406 = tpu.vector_load %arg13[%get3A_404, %get3A_405] {strides = array<i32>} : memref<88x128xf32, #tpu.memory_space<vmem>>, vector<1x16xf32>,
        %get3A_407 = vector.shape_cast %get3A_406 : vector<1x16xf32> to vector<16xf32>
        %mul3A_408 = arith.mulf %get3A_403, %get3A_407 : vector<16xf32>
        %swap3A_409 = arith.index_cast %scan3A_373 : i32 to index
        %swap3A_410 = arith.constant 32 : index
        %swap3A_411 = tpu.vector_load %arg11[%swap3A_409, %swap3A_410] {strides = array<i32>} : memref<88x128xf32, #tpu.memory_space<vmem>>, vector<1x16xf32>,
        %swap3A_412 = vector.shape_cast %swap3A_411 : vector<1x16xf32> to vector<16xf32>
        %swap3A_413 = vector.shape_cast %mul3A_408 : vector<16xf32> to vector<1x16xf32>
        tpu.vector_store %arg11[%swap3A_409, %swap3A_410], %swap3A_413 {strides = array<i32>} : memref<88x128xf32, #tpu.memory_space<vmem>>, vector<1x16xf32>,
        %get3A_414 = arith.index_cast %scan3A_373 : i32 to index
        %get3A_415 = arith.constant 48 : index
        %get3A_416 = tpu.vector_load %arg11[%get3A_414, %get3A_415] {strides = array<i32>} : memref<88x128xf32, #tpu.memory_space<vmem>>, vector<1x16xf32>,
        %get3A_417 = vector.shape_cast %get3A_416 : vector<1x16xf32> to vector<16xf32>
        %get3A_418 = arith.index_cast %scan3A_373 : i32 to index
        %get3A_419 = arith.constant 48 : index
        %get3A_420 = tpu.vector_load %arg13[%get3A_418, %get3A_419] {strides = array<i32>} : memref<88x128xf32, #tpu.memory_space<vmem>>, vector<1x16xf32>,
        %get3A_421 = vector.shape_cast %get3A_420 : vector<1x16xf32> to vector<16xf32>
        %mul3A_422 = arith.mulf %get3A_417, %get3A_421 : vector<16xf32>
        %swap3A_423 = arith.index_cast %scan3A_373 : i32 to index
        %swap3A_424 = arith.constant 48 : index
        %swap3A_425 = tpu.vector_load %arg11[%swap3A_423, %swap3A_424] {strides = array<i32>} : memref<88x128xf32, #tpu.memory_space<vmem>>, vector<1x16xf32>,
        %swap3A_426 = vector.shape_cast %swap3A_425 : vector<1x16xf32> to vector<16xf32>
        %swap3A_427 = vector.shape_cast %mul3A_422 : vector<16xf32> to vector<1x16xf32>
        tpu.vector_store %arg11[%swap3A_423, %swap3A_424], %swap3A_427 {strides = array<i32>} : memref<88x128xf32, #tpu.memory_space<vmem>>, vector<1x16xf32>,
        %get3A_428 = arith.index_cast %scan3A_373 : i32 to index
        %get3A_429 = arith.constant 64 : index
        %get3A_430 = tpu.vector_load %arg11[%get3A_428, %get3A_429] {strides = array<i32>} : memref<88x128xf32, #tpu.memory_space<vmem>>, vector<1x16xf32>,
        %get3A_431 = vector.shape_cast %get3A_430 : vector<1x16xf32> to vector<16xf32>
        %get3A_432 = arith.index_cast %scan3A_373 : i32 to index
        %get3A_433 = arith.constant 64 : index
        %get3A_434 = tpu.vector_load %arg13[%get3A_432, %get3A_433] {strides = array<i32>} : memref<88x128xf32, #tpu.memory_space<vmem>>, vector<1x16xf32>,
        %get3A_435 = vector.shape_cast %get3A_434 : vector<1x16xf32> to vector<16xf32>
        %mul3A_436 = arith.mulf %get3A_431, %get3A_435 : vector<16xf32>
        %swap3A_437 = arith.index_cast %scan3A_373 : i32 to index
        %swap3A_438 = arith.constant 64 : index
        %swap3A_439 = tpu.vector_load %arg11[%swap3A_437, %swap3A_438] {strides = array<i32>} : memref<88x128xf32, #tpu.memory_space<vmem>>, vector<1x16xf32>,
        %swap3A_440 = vector.shape_cast %swap3A_439 : vector<1x16xf32> to vector<16xf32>
        %swap3A_441 = vector.shape_cast %mul3A_436 : vector<16xf32> to vector<1x16xf32>
        tpu.vector_store %arg11[%swap3A_437, %swap3A_438], %swap3A_441 {strides = array<i32>} : memref<88x128xf32, #tpu.memory_space<vmem>>, vector<1x16xf32>,
        %get3A_442 = arith.index_cast %scan3A_373 : i32 to index
        %get3A_443 = arith.constant 80 : index
        %get3A_444 = tpu.vector_load %arg11[%get3A_442, %get3A_443] {strides = array<i32>} : memref<88x128xf32, #tpu.memory_space<vmem>>, vector<1x16xf32>,
        %get3A_445 = vector.shape_cast %get3A_444 : vector<1x16xf32> to vector<16xf32>
        %get3A_446 = arith.index_cast %scan3A_373 : i32 to index
        %get3A_447 = arith.constant 80 : index
        %get3A_448 = tpu.vector_load %arg13[%get3A_446, %get3A_447] {strides = array<i32>} : memref<88x128xf32, #tpu.memory_space<vmem>>, vector<1x16xf32>,
        %get3A_449 = vector.shape_cast %get3A_448 : vector<1x16xf32> to vector<16xf32>
        %mul3A_450 = arith.mulf %get3A_445, %get3A_449 : vector<16xf32>
        %swap3A_451 = arith.index_cast %scan3A_373 : i32 to index
        %swap3A_452 = arith.constant 80 : index
        %swap3A_453 = tpu.vector_load %arg11[%swap3A_451, %swap3A_452] {strides = array<i32>} : memref<88x128xf32, #tpu.memory_space<vmem>>, vector<1x16xf32>,
        %swap3A_454 = vector.shape_cast %swap3A_453 : vector<1x16xf32> to vector<16xf32>
        %swap3A_455 = vector.shape_cast %mul3A_450 : vector<16xf32> to vector<1x16xf32>
        tpu.vector_store %arg11[%swap3A_451, %swap3A_452], %swap3A_455 {strides = array<i32>} : memref<88x128xf32, #tpu.memory_space<vmem>>, vector<1x16xf32>,
        %get3A_456 = arith.index_cast %scan3A_373 : i32 to index
        %get3A_457 = arith.constant 96 : index
        %get3A_458 = tpu.vector_load %arg11[%get3A_456, %get3A_457] {strides = array<i32>} : memref<88x128xf32, #tpu.memory_space<vmem>>, vector<1x16xf32>,
        %get3A_459 = vector.shape_cast %get3A_458 : vector<1x16xf32> to vector<16xf32>
        %get3A_460 = arith.index_cast %scan3A_373 : i32 to index
        %get3A_461 = arith.constant 96 : index
        %get3A_462 = tpu.vector_load %arg13[%get3A_460, %get3A_461] {strides = array<i32>} : memref<88x128xf32, #tpu.memory_space<vmem>>, vector<1x16xf32>,
        %get3A_463 = vector.shape_cast %get3A_462 : vector<1x16xf32> to vector<16xf32>
        %mul3A_464 = arith.mulf %get3A_459, %get3A_463 : vector<16xf32>
        %swap3A_465 = arith.index_cast %scan3A_373 : i32 to index
        %swap3A_466 = arith.constant 96 : index
        %swap3A_467 = tpu.vector_load %arg11[%swap3A_465, %swap3A_466] {strides = array<i32>} : memref<88x128xf32, #tpu.memory_space<vmem>>, vector<1x16xf32>,
        %swap3A_468 = vector.shape_cast %swap3A_467 : vector<1x16xf32> to vector<16xf32>
        %swap3A_469 = vector.shape_cast %mul3A_464 : vector<16xf32> to vector<1x16xf32>
        tpu.vector_store %arg11[%swap3A_465, %swap3A_466], %swap3A_469 {strides = array<i32>} : memref<88x128xf32, #tpu.memory_space<vmem>>, vector<1x16xf32>,
        %get3A_470 = arith.index_cast %scan3A_373 : i32 to index
        %get3A_471 = arith.constant 112 : index
        %get3A_472 = tpu.vector_load %arg11[%get3A_470, %get3A_471] {strides = array<i32>} : memref<88x128xf32, #tpu.memory_space<vmem>>, vector<1x16xf32>,
        %get3A_473 = vector.shape_cast %get3A_472 : vector<1x16xf32> to vector<16xf32>
        %get3A_474 = arith.index_cast %scan3A_373 : i32 to index
        %get3A_475 = arith.constant 112 : index
        %get3A_476 = tpu.vector_load %arg13[%get3A_474, %get3A_475] {strides = array<i32>} : memref<88x128xf32, #tpu.memory_space<vmem>>, vector<1x16xf32>,
        %get3A_477 = vector.shape_cast %get3A_476 : vector<1x16xf32> to vector<16xf32>
        %mul3A_478 = arith.mulf %get3A_473, %get3A_477 : vector<16xf32>
        %swap3A_479 = arith.index_cast %scan3A_373 : i32 to index
        %swap3A_480 = arith.constant 112 : index
        %swap3A_481 = tpu.vector_load %arg11[%swap3A_479, %swap3A_480] {strides = array<i32>} : memref<88x128xf32, #tpu.memory_space<vmem>>, vector<1x16xf32>,
        %swap3A_482 = vector.shape_cast %swap3A_481 : vector<1x16xf32> to vector<16xf32>
        %swap3A_483 = vector.shape_cast %mul3A_478 : vector<16xf32> to vector<1x16xf32>
        tpu.vector_store %arg11[%swap3A_479, %swap3A_480], %swap3A_483 {strides = array<i32>} : memref<88x128xf32, #tpu.memory_space<vmem>>, vector<1x16xf32>,
      }
      %scan3A_196 = arith.constant 88 : i32
      %dma_start3A_197 = arith.constant 3 : i32
      %dma_start3A_198 = arith.constant 0 : i32
      %dma_start3A_199 = tpu.memref_slice %arg9[%dma_start3A_197, %dma_start3A_198] : memref<8x88xi32, #tpu.memory_space<vmem>> -> memref<1x88xi32, #tpu.memory_space<vmem>>
      %dma_start3A_200 = tpu.memref_squeeze %dma_start3A_199 : memref<1x88xi32, #tpu.memory_space<vmem>> -> memref<88xi32, #tpu.memory_space<vmem>>
      %dma_start3A_201 = arith.constant 0 : i32
      %dma_start3A_202 = arith.constant 0 : i32
      %dma_start3A_203 = tpu.memref_slice %arg14[%dma_start3A_201, %dma_start3A_202] : memref<10112x128xf32, #tpu.memory_space<vmem_shared>> -> memref<10112x128xf32, #tpu.memory_space<vmem_shared>>
      tpu.enqueue_indirect_dma source(%arg11 : memref<88x128xf32, #tpu.memory_space<vmem>>) target(%dma_start3A_203 : memref<10112x128xf32, #tpu.memory_space<vmem_shared>>) offsets(%dma_start3A_200 : memref<88xi32, #tpu.memory_space<vmem>>) semaphore(%arg17 : memref<!tpu.dma_semaphore, #tpu.memory_space<semaphore_mem>>) {add = true}
      %dma_wait3A_204 = arith.constant 0 : i32
      %dma_wait3A_205 = arith.constant 0 : i32
      %dma_wait3A_206 = tpu.memref_slice %arg14[%dma_wait3A_204, %dma_wait3A_205] : memref<10112x128xf32, #tpu.memory_space<vmem_shared>> -> memref<88x128xf32, #tpu.memory_space<vmem_shared>>
      %dma_wait3A_207 = arith.constant 0 : i32
      %dma_wait3A_208 = arith.constant 0 : i32
      %dma_wait3A_209 = tpu.memref_slice %arg2[%dma_wait3A_207, %dma_wait3A_208] : memref<10000x128xf32, #tpu.memory_space<hbm>> -> memref<88x128xf32, #tpu.memory_space<hbm>>
      tpu.wait_dma2 semaphore(%arg17 : memref<!tpu.dma_semaphore, #tpu.memory_space<semaphore_mem>>) src(%dma_wait3A_209 : memref<88x128xf32, #tpu.memory_space<hbm>>) dst(%dma_wait3A_206 : memref<88x128xf32, #tpu.memory_space<vmem_shared>>)
      %dma_start3A_210 = arith.constant 5 : i32
      %dma_start3A_211 = arith.constant 0 : i32
      %dma_start3A_212 = tpu.memref_slice %arg8[%dma_start3A_210, %dma_start3A_211] : memref<8x88xi32, #tpu.memory_space<vmem>> -> memref<1x88xi32, #tpu.memory_space<vmem>>
      %dma_start3A_213 = tpu.memref_squeeze %dma_start3A_212 : memref<1x88xi32, #tpu.memory_space<vmem>> -> memref<88xi32, #tpu.memory_space<vmem>>
      %dma_start3A_214 = arith.constant 0 : i32
      %dma_start3A_215 = arith.constant 0 : i32
      %dma_start3A_216 = tpu.memref_slice %arg2[%dma_start3A_214, %dma_start3A_215] : memref<10000x128xf32, #tpu.memory_space<hbm>> -> memref<10000x128xf32, #tpu.memory_space<hbm>>
      tpu.enqueue_indirect_dma source(%dma_start3A_216 : memref<10000x128xf32, #tpu.memory_space<hbm>>) target(%arg11 : memref<88x128xf32, #tpu.memory_space<vmem>>) offsets(%dma_start3A_213 : memref<88xi32, #tpu.memory_space<vmem>>) semaphore(%arg15 : memref<!tpu.dma_semaphore, #tpu.memory_space<semaphore_mem>>)
      %add3A_217 = arith.constant 440 : i32
      %add3A_218 = arith.addi %mul3A_22, %add3A_217 : i32
      %dma_start3A_219 = arith.constant 0 : i32
      %dma_start3A_220 = tpu.memref_slice %arg3[%add3A_218, %dma_start3A_219] : memref<337920x128xf32, #tpu.memory_space<hbm>> -> memref<88x128xf32, #tpu.memory_space<hbm>>
      %dma_start3A_221 = arith.constant 0 : i32
      %dma_start3A_222 = tpu.memref_slice %arg3[%add3A_218, %dma_start3A_221] : memref<337920x128xf32, #tpu.memory_space<hbm>> -> memref<88x128xf32, #tpu.memory_space<hbm>>
      tpu.enqueue_dma source(%dma_start3A_222 : memref<88x128xf32, #tpu.memory_space<hbm>>) target(%arg13 : memref<88x128xf32, #tpu.memory_space<vmem>>) target_semaphore(%arg16 : memref<!tpu.dma_semaphore, #tpu.memory_space<semaphore_mem>>)
      %dma_wait3A_223 = arith.constant 0 : i32
      %dma_wait3A_224 = arith.constant 0 : i32
      %dma_wait3A_225 = tpu.memref_slice %arg3[%dma_wait3A_223, %dma_wait3A_224] : memref<337920x128xf32, #tpu.memory_space<hbm>> -> memref<88x128xf32, #tpu.memory_space<hbm>>
      %dma_wait3A_226 = arith.constant 0 : i32
      %dma_wait3A_227 = arith.constant 0 : i32
      %dma_wait3A_228 = tpu.memref_slice %arg3[%dma_wait3A_226, %dma_wait3A_227] : memref<337920x128xf32, #tpu.memory_space<hbm>> -> memref<88x128xf32, #tpu.memory_space<hbm>>
      tpu.wait_dma2 semaphore(%arg15 : memref<!tpu.dma_semaphore, #tpu.memory_space<semaphore_mem>>) src(%dma_wait3A_228 : memref<88x128xf32, #tpu.memory_space<hbm>>) dst(%arg10 : memref<88x128xf32, #tpu.memory_space<vmem>>)
      %dma_wait3A_229 = arith.constant 0 : i32
      %dma_wait3A_230 = arith.constant 0 : i32
      %dma_wait3A_231 = tpu.memref_slice %arg3[%dma_wait3A_229, %dma_wait3A_230] : memref<337920x128xf32, #tpu.memory_space<hbm>> -> memref<88x128xf32, #tpu.memory_space<hbm>>
      %dma_wait3A_232 = arith.constant 0 : i32
      %dma_wait3A_233 = arith.constant 0 : i32
      %dma_wait3A_234 = tpu.memref_slice %arg3[%dma_wait3A_232, %dma_wait3A_233] : memref<337920x128xf32, #tpu.memory_space<hbm>> -> memref<88x128xf32, #tpu.memory_space<hbm>>
      tpu.wait_dma2 semaphore(%arg16 : memref<!tpu.dma_semaphore, #tpu.memory_space<semaphore_mem>>) src(%dma_wait3A_234 : memref<88x128xf32, #tpu.memory_space<hbm>>) dst(%arg12 : memref<88x128xf32, #tpu.memory_space<vmem>>)
      %scan3A_235 = arith.constant 0 : i32
      %scan3A_236 = arith.constant 0 : i32
      %scan3A_237 = arith.constant 88 : i32
      %scan3A_238 = arith.addi %scan3A_236, %scan3A_237 : i32
      %scan3A_239 = arith.constant 1 : i32
      scf.for %scan3A_373 = %scan3A_236 to %scan3A_238 step %scan3A_239  : i32 {
        %get3A = arith.index_cast %scan3A_373 : i32 to index
        %get3A_374 = arith.constant 0 : index
        %get3A_375 = tpu.vector_load %arg10[%get3A, %get3A_374] {strides = array<i32>} : memref<88x128xf32, #tpu.memory_space<vmem>>, vector<1x16xf32>,
        %get3A_376 = vector.shape_cast %get3A_375 : vector<1x16xf32> to vector<16xf32>
        %get3A_377 = arith.index_cast %scan3A_373 : i32 to index
        %get3A_378 = arith.constant 0 : index
        %get3A_379 = tpu.vector_load %arg12[%get3A_377, %get3A_378] {strides = array<i32>} : memref<88x128xf32, #tpu.memory_space<vmem>>, vector<1x16xf32>,
        %get3A_380 = vector.shape_cast %get3A_379 : vector<1x16xf32> to vector<16xf32>
        %mul3A_381 = arith.mulf %get3A_376, %get3A_380 : vector<16xf32>
        %swap3A = arith.index_cast %scan3A_373 : i32 to index
        %swap3A_382 = arith.constant 0 : index
        %swap3A_383 = tpu.vector_load %arg10[%swap3A, %swap3A_382] {strides = array<i32>} : memref<88x128xf32, #tpu.memory_space<vmem>>, vector<1x16xf32>,
        %swap3A_384 = vector.shape_cast %swap3A_383 : vector<1x16xf32> to vector<16xf32>
        %swap3A_385 = vector.shape_cast %mul3A_381 : vector<16xf32> to vector<1x16xf32>
        tpu.vector_store %arg10[%swap3A, %swap3A_382], %swap3A_385 {strides = array<i32>} : memref<88x128xf32, #tpu.memory_space<vmem>>, vector<1x16xf32>,
        %get3A_386 = arith.index_cast %scan3A_373 : i32 to index
        %get3A_387 = arith.constant 16 : index
        %get3A_388 = tpu.vector_load %arg10[%get3A_386, %get3A_387] {strides = array<i32>} : memref<88x128xf32, #tpu.memory_space<vmem>>, vector<1x16xf32>,
        %get3A_389 = vector.shape_cast %get3A_388 : vector<1x16xf32> to vector<16xf32>
        %get3A_390 = arith.index_cast %scan3A_373 : i32 to index
        %get3A_391 = arith.constant 16 : index
        %get3A_392 = tpu.vector_load %arg12[%get3A_390, %get3A_391] {strides = array<i32>} : memref<88x128xf32, #tpu.memory_space<vmem>>, vector<1x16xf32>,
        %get3A_393 = vector.shape_cast %get3A_392 : vector<1x16xf32> to vector<16xf32>
        %mul3A_394 = arith.mulf %get3A_389, %get3A_393 : vector<16xf32>
        %swap3A_395 = arith.index_cast %scan3A_373 : i32 to index
        %swap3A_396 = arith.constant 16 : index
        %swap3A_397 = tpu.vector_load %arg10[%swap3A_395, %swap3A_396] {strides = array<i32>} : memref<88x128xf32, #tpu.memory_space<vmem>>, vector<1x16xf32>,
        %swap3A_398 = vector.shape_cast %swap3A_397 : vector<1x16xf32> to vector<16xf32>
        %swap3A_399 = vector.shape_cast %mul3A_394 : vector<16xf32> to vector<1x16xf32>
        tpu.vector_store %arg10[%swap3A_395, %swap3A_396], %swap3A_399 {strides = array<i32>} : memref<88x128xf32, #tpu.memory_space<vmem>>, vector<1x16xf32>,
        %get3A_400 = arith.index_cast %scan3A_373 : i32 to index
        %get3A_401 = arith.constant 32 : index
        %get3A_402 = tpu.vector_load %arg10[%get3A_400, %get3A_401] {strides = array<i32>} : memref<88x128xf32, #tpu.memory_space<vmem>>, vector<1x16xf32>,
        %get3A_403 = vector.shape_cast %get3A_402 : vector<1x16xf32> to vector<16xf32>
        %get3A_404 = arith.index_cast %scan3A_373 : i32 to index
        %get3A_405 = arith.constant 32 : index
        %get3A_406 = tpu.vector_load %arg12[%get3A_404, %get3A_405] {strides = array<i32>} : memref<88x128xf32, #tpu.memory_space<vmem>>, vector<1x16xf32>,
        %get3A_407 = vector.shape_cast %get3A_406 : vector<1x16xf32> to vector<16xf32>
        %mul3A_408 = arith.mulf %get3A_403, %get3A_407 : vector<16xf32>
        %swap3A_409 = arith.index_cast %scan3A_373 : i32 to index
        %swap3A_410 = arith.constant 32 : index
        %swap3A_411 = tpu.vector_load %arg10[%swap3A_409, %swap3A_410] {strides = array<i32>} : memref<88x128xf32, #tpu.memory_space<vmem>>, vector<1x16xf32>,
        %swap3A_412 = vector.shape_cast %swap3A_411 : vector<1x16xf32> to vector<16xf32>
        %swap3A_413 = vector.shape_cast %mul3A_408 : vector<16xf32> to vector<1x16xf32>
        tpu.vector_store %arg10[%swap3A_409, %swap3A_410], %swap3A_413 {strides = array<i32>} : memref<88x128xf32, #tpu.memory_space<vmem>>, vector<1x16xf32>,
        %get3A_414 = arith.index_cast %scan3A_373 : i32 to index
        %get3A_415 = arith.constant 48 : index
        %get3A_416 = tpu.vector_load %arg10[%get3A_414, %get3A_415] {strides = array<i32>} : memref<88x128xf32, #tpu.memory_space<vmem>>, vector<1x16xf32>,
        %get3A_417 = vector.shape_cast %get3A_416 : vector<1x16xf32> to vector<16xf32>
        %get3A_418 = arith.index_cast %scan3A_373 : i32 to index
        %get3A_419 = arith.constant 48 : index
        %get3A_420 = tpu.vector_load %arg12[%get3A_418, %get3A_419] {strides = array<i32>} : memref<88x128xf32, #tpu.memory_space<vmem>>, vector<1x16xf32>,
        %get3A_421 = vector.shape_cast %get3A_420 : vector<1x16xf32> to vector<16xf32>
        %mul3A_422 = arith.mulf %get3A_417, %get3A_421 : vector<16xf32>
        %swap3A_423 = arith.index_cast %scan3A_373 : i32 to index
        %swap3A_424 = arith.constant 48 : index
        %swap3A_425 = tpu.vector_load %arg10[%swap3A_423, %swap3A_424] {strides = array<i32>} : memref<88x128xf32, #tpu.memory_space<vmem>>, vector<1x16xf32>,
        %swap3A_426 = vector.shape_cast %swap3A_425 : vector<1x16xf32> to vector<16xf32>
        %swap3A_427 = vector.shape_cast %mul3A_422 : vector<16xf32> to vector<1x16xf32>
        tpu.vector_store %arg10[%swap3A_423, %swap3A_424], %swap3A_427 {strides = array<i32>} : memref<88x128xf32, #tpu.memory_space<vmem>>, vector<1x16xf32>,
        %get3A_428 = arith.index_cast %scan3A_373 : i32 to index
        %get3A_429 = arith.constant 64 : index
        %get3A_430 = tpu.vector_load %arg10[%get3A_428, %get3A_429] {strides = array<i32>} : memref<88x128xf32, #tpu.memory_space<vmem>>, vector<1x16xf32>,
        %get3A_431 = vector.shape_cast %get3A_430 : vector<1x16xf32> to vector<16xf32>
        %get3A_432 = arith.index_cast %scan3A_373 : i32 to index
        %get3A_433 = arith.constant 64 : index
        %get3A_434 = tpu.vector_load %arg12[%get3A_432, %get3A_433] {strides = array<i32>} : memref<88x128xf32, #tpu.memory_space<vmem>>, vector<1x16xf32>,
        %get3A_435 = vector.shape_cast %get3A_434 : vector<1x16xf32> to vector<16xf32>
        %mul3A_436 = arith.mulf %get3A_431, %get3A_435 : vector<16xf32>
        %swap3A_437 = arith.index_cast %scan3A_373 : i32 to index
        %swap3A_438 = arith.constant 64 : index
        %swap3A_439 = tpu.vector_load %arg10[%swap3A_437, %swap3A_438] {strides = array<i32>} : memref<88x128xf32, #tpu.memory_space<vmem>>, vector<1x16xf32>,
        %swap3A_440 = vector.shape_cast %swap3A_439 : vector<1x16xf32> to vector<16xf32>
        %swap3A_441 = vector.shape_cast %mul3A_436 : vector<16xf32> to vector<1x16xf32>
        tpu.vector_store %arg10[%swap3A_437, %swap3A_438], %swap3A_441 {strides = array<i32>} : memref<88x128xf32, #tpu.memory_space<vmem>>, vector<1x16xf32>,
        %get3A_442 = arith.index_cast %scan3A_373 : i32 to index
        %get3A_443 = arith.constant 80 : index
        %get3A_444 = tpu.vector_load %arg10[%get3A_442, %get3A_443] {strides = array<i32>} : memref<88x128xf32, #tpu.memory_space<vmem>>, vector<1x16xf32>,
        %get3A_445 = vector.shape_cast %get3A_444 : vector<1x16xf32> to vector<16xf32>
        %get3A_446 = arith.index_cast %scan3A_373 : i32 to index
        %get3A_447 = arith.constant 80 : index
        %get3A_448 = tpu.vector_load %arg12[%get3A_446, %get3A_447] {strides = array<i32>} : memref<88x128xf32, #tpu.memory_space<vmem>>, vector<1x16xf32>,
        %get3A_449 = vector.shape_cast %get3A_448 : vector<1x16xf32> to vector<16xf32>
        %mul3A_450 = arith.mulf %get3A_445, %get3A_449 : vector<16xf32>
        %swap3A_451 = arith.index_cast %scan3A_373 : i32 to index
        %swap3A_452 = arith.constant 80 : index
        %swap3A_453 = tpu.vector_load %arg10[%swap3A_451, %swap3A_452] {strides = array<i32>} : memref<88x128xf32, #tpu.memory_space<vmem>>, vector<1x16xf32>,
        %swap3A_454 = vector.shape_cast %swap3A_453 : vector<1x16xf32> to vector<16xf32>
        %swap3A_455 = vector.shape_cast %mul3A_450 : vector<16xf32> to vector<1x16xf32>
        tpu.vector_store %arg10[%swap3A_451, %swap3A_452], %swap3A_455 {strides = array<i32>} : memref<88x128xf32, #tpu.memory_space<vmem>>, vector<1x16xf32>,
        %get3A_456 = arith.index_cast %scan3A_373 : i32 to index
        %get3A_457 = arith.constant 96 : index
        %get3A_458 = tpu.vector_load %arg10[%get3A_456, %get3A_457] {strides = array<i32>} : memref<88x128xf32, #tpu.memory_space<vmem>>, vector<1x16xf32>,
        %get3A_459 = vector.shape_cast %get3A_458 : vector<1x16xf32> to vector<16xf32>
        %get3A_460 = arith.index_cast %scan3A_373 : i32 to index
        %get3A_461 = arith.constant 96 : index
        %get3A_462 = tpu.vector_load %arg12[%get3A_460, %get3A_461] {strides = array<i32>} : memref<88x128xf32, #tpu.memory_space<vmem>>, vector<1x16xf32>,
        %get3A_463 = vector.shape_cast %get3A_462 : vector<1x16xf32> to vector<16xf32>
        %mul3A_464 = arith.mulf %get3A_459, %get3A_463 : vector<16xf32>
        %swap3A_465 = arith.index_cast %scan3A_373 : i32 to index
        %swap3A_466 = arith.constant 96 : index
        %swap3A_467 = tpu.vector_load %arg10[%swap3A_465, %swap3A_466] {strides = array<i32>} : memref<88x128xf32, #tpu.memory_space<vmem>>, vector<1x16xf32>,
        %swap3A_468 = vector.shape_cast %swap3A_467 : vector<1x16xf32> to vector<16xf32>
        %swap3A_469 = vector.shape_cast %mul3A_464 : vector<16xf32> to vector<1x16xf32>
        tpu.vector_store %arg10[%swap3A_465, %swap3A_466], %swap3A_469 {strides = array<i32>} : memref<88x128xf32, #tpu.memory_space<vmem>>, vector<1x16xf32>,
        %get3A_470 = arith.index_cast %scan3A_373 : i32 to index
        %get3A_471 = arith.constant 112 : index
        %get3A_472 = tpu.vector_load %arg10[%get3A_470, %get3A_471] {strides = array<i32>} : memref<88x128xf32, #tpu.memory_space<vmem>>, vector<1x16xf32>,
        %get3A_473 = vector.shape_cast %get3A_472 : vector<1x16xf32> to vector<16xf32>
        %get3A_474 = arith.index_cast %scan3A_373 : i32 to index
        %get3A_475 = arith.constant 112 : index
        %get3A_476 = tpu.vector_load %arg12[%get3A_474, %get3A_475] {strides = array<i32>} : memref<88x128xf32, #tpu.memory_space<vmem>>, vector<1x16xf32>,
        %get3A_477 = vector.shape_cast %get3A_476 : vector<1x16xf32> to vector<16xf32>
        %mul3A_478 = arith.mulf %get3A_473, %get3A_477 : vector<16xf32>
        %swap3A_479 = arith.index_cast %scan3A_373 : i32 to index
        %swap3A_480 = arith.constant 112 : index
        %swap3A_481 = tpu.vector_load %arg10[%swap3A_479, %swap3A_480] {strides = array<i32>} : memref<88x128xf32, #tpu.memory_space<vmem>>, vector<1x16xf32>,
        %swap3A_482 = vector.shape_cast %swap3A_481 : vector<1x16xf32> to vector<16xf32>
        %swap3A_483 = vector.shape_cast %mul3A_478 : vector<16xf32> to vector<1x16xf32>
        tpu.vector_store %arg10[%swap3A_479, %swap3A_480], %swap3A_483 {strides = array<i32>} : memref<88x128xf32, #tpu.memory_space<vmem>>, vector<1x16xf32>,
      }
      %scan3A_240 = arith.constant 88 : i32
      %dma_start3A_241 = arith.constant 4 : i32
      %dma_start3A_242 = arith.constant 0 : i32
      %dma_start3A_243 = tpu.memref_slice %arg9[%dma_start3A_241, %dma_start3A_242] : memref<8x88xi32, #tpu.memory_space<vmem>> -> memref<1x88xi32, #tpu.memory_space<vmem>>
      %dma_start3A_244 = tpu.memref_squeeze %dma_start3A_243 : memref<1x88xi32, #tpu.memory_space<vmem>> -> memref<88xi32, #tpu.memory_space<vmem>>
      %dma_start3A_245 = arith.constant 0 : i32
      %dma_start3A_246 = arith.constant 0 : i32
      %dma_start3A_247 = tpu.memref_slice %arg14[%dma_start3A_245, %dma_start3A_246] : memref<10112x128xf32, #tpu.memory_space<vmem_shared>> -> memref<10112x128xf32, #tpu.memory_space<vmem_shared>>
      tpu.enqueue_indirect_dma source(%arg10 : memref<88x128xf32, #tpu.memory_space<vmem>>) target(%dma_start3A_247 : memref<10112x128xf32, #tpu.memory_space<vmem_shared>>) offsets(%dma_start3A_244 : memref<88xi32, #tpu.memory_space<vmem>>) semaphore(%arg17 : memref<!tpu.dma_semaphore, #tpu.memory_space<semaphore_mem>>) {add = true}
      %dma_wait3A_248 = arith.constant 0 : i32
      %dma_wait3A_249 = arith.constant 0 : i32
      %dma_wait3A_250 = tpu.memref_slice %arg14[%dma_wait3A_248, %dma_wait3A_249] : memref<10112x128xf32, #tpu.memory_space<vmem_shared>> -> memref<88x128xf32, #tpu.memory_space<vmem_shared>>
      %dma_wait3A_251 = arith.constant 0 : i32
      %dma_wait3A_252 = arith.constant 0 : i32
      %dma_wait3A_253 = tpu.memref_slice %arg2[%dma_wait3A_251, %dma_wait3A_252] : memref<10000x128xf32, #tpu.memory_space<hbm>> -> memref<88x128xf32, #tpu.memory_space<hbm>>
      tpu.wait_dma2 semaphore(%arg17 : memref<!tpu.dma_semaphore, #tpu.memory_space<semaphore_mem>>) src(%dma_wait3A_253 : memref<88x128xf32, #tpu.memory_space<hbm>>) dst(%dma_wait3A_250 : memref<88x128xf32, #tpu.memory_space<vmem_shared>>)
      %dma_start3A_254 = arith.constant 6 : i32
      %dma_start3A_255 = arith.constant 0 : i32
      %dma_start3A_256 = tpu.memref_slice %arg8[%dma_start3A_254, %dma_start3A_255] : memref<8x88xi32, #tpu.memory_space<vmem>> -> memref<1x88xi32, #tpu.memory_space<vmem>>
      %dma_start3A_257 = tpu.memref_squeeze %dma_start3A_256 : memref<1x88xi32, #tpu.memory_space<vmem>> -> memref<88xi32, #tpu.memory_space<vmem>>
      %dma_start3A_258 = arith.constant 0 : i32
      %dma_start3A_259 = arith.constant 0 : i32
      %dma_start3A_260 = tpu.memref_slice %arg2[%dma_start3A_258, %dma_start3A_259] : memref<10000x128xf32, #tpu.memory_space<hbm>> -> memref<10000x128xf32, #tpu.memory_space<hbm>>
      tpu.enqueue_indirect_dma source(%dma_start3A_260 : memref<10000x128xf32, #tpu.memory_space<hbm>>) target(%arg10 : memref<88x128xf32, #tpu.memory_space<vmem>>) offsets(%dma_start3A_257 : memref<88xi32, #tpu.memory_space<vmem>>) semaphore(%arg15 : memref<!tpu.dma_semaphore, #tpu.memory_space<semaphore_mem>>)
      %add3A_261 = arith.constant 528 : i32
      %add3A_262 = arith.addi %mul3A_22, %add3A_261 : i32
      %dma_start3A_263 = arith.constant 0 : i32
      %dma_start3A_264 = tpu.memref_slice %arg3[%add3A_262, %dma_start3A_263] : memref<337920x128xf32, #tpu.memory_space<hbm>> -> memref<88x128xf32, #tpu.memory_space<hbm>>
      %dma_start3A_265 = arith.constant 0 : i32
      %dma_start3A_266 = tpu.memref_slice %arg3[%add3A_262, %dma_start3A_265] : memref<337920x128xf32, #tpu.memory_space<hbm>> -> memref<88x128xf32, #tpu.memory_space<hbm>>
      tpu.enqueue_dma source(%dma_start3A_266 : memref<88x128xf32, #tpu.memory_space<hbm>>) target(%arg12 : memref<88x128xf32, #tpu.memory_space<vmem>>) target_semaphore(%arg16 : memref<!tpu.dma_semaphore, #tpu.memory_space<semaphore_mem>>)
      %dma_wait3A_267 = arith.constant 0 : i32
      %dma_wait3A_268 = arith.constant 0 : i32
      %dma_wait3A_269 = tpu.memref_slice %arg3[%dma_wait3A_267, %dma_wait3A_268] : memref<337920x128xf32, #tpu.memory_space<hbm>> -> memref<88x128xf32, #tpu.memory_space<hbm>>
      %dma_wait3A_270 = arith.constant 0 : i32
      %dma_wait3A_271 = arith.constant 0 : i32
      %dma_wait3A_272 = tpu.memref_slice %arg3[%dma_wait3A_270, %dma_wait3A_271] : memref<337920x128xf32, #tpu.memory_space<hbm>> -> memref<88x128xf32, #tpu.memory_space<hbm>>
      tpu.wait_dma2 semaphore(%arg15 : memref<!tpu.dma_semaphore, #tpu.memory_space<semaphore_mem>>) src(%dma_wait3A_272 : memref<88x128xf32, #tpu.memory_space<hbm>>) dst(%arg11 : memref<88x128xf32, #tpu.memory_space<vmem>>)
      %dma_wait3A_273 = arith.constant 0 : i32
      %dma_wait3A_274 = arith.constant 0 : i32
      %dma_wait3A_275 = tpu.memref_slice %arg3[%dma_wait3A_273, %dma_wait3A_274] : memref<337920x128xf32, #tpu.memory_space<hbm>> -> memref<88x128xf32, #tpu.memory_space<hbm>>
      %dma_wait3A_276 = arith.constant 0 : i32
      %dma_wait3A_277 = arith.constant 0 : i32
      %dma_wait3A_278 = tpu.memref_slice %arg3[%dma_wait3A_276, %dma_wait3A_277] : memref<337920x128xf32, #tpu.memory_space<hbm>> -> memref<88x128xf32, #tpu.memory_space<hbm>>
      tpu.wait_dma2 semaphore(%arg16 : memref<!tpu.dma_semaphore, #tpu.memory_space<semaphore_mem>>) src(%dma_wait3A_278 : memref<88x128xf32, #tpu.memory_space<hbm>>) dst(%arg13 : memref<88x128xf32, #tpu.memory_space<vmem>>)
      %scan3A_279 = arith.constant 0 : i32
      %scan3A_280 = arith.constant 0 : i32
      %scan3A_281 = arith.constant 88 : i32
      %scan3A_282 = arith.addi %scan3A_280, %scan3A_281 : i32
      %scan3A_283 = arith.constant 1 : i32
      scf.for %scan3A_373 = %scan3A_280 to %scan3A_282 step %scan3A_283  : i32 {
        %get3A = arith.index_cast %scan3A_373 : i32 to index
        %get3A_374 = arith.constant 0 : index
        %get3A_375 = tpu.vector_load %arg11[%get3A, %get3A_374] {strides = array<i32>} : memref<88x128xf32, #tpu.memory_space<vmem>>, vector<1x16xf32>,
        %get3A_376 = vector.shape_cast %get3A_375 : vector<1x16xf32> to vector<16xf32>
        %get3A_377 = arith.index_cast %scan3A_373 : i32 to index
        %get3A_378 = arith.constant 0 : index
        %get3A_379 = tpu.vector_load %arg13[%get3A_377, %get3A_378] {strides = array<i32>} : memref<88x128xf32, #tpu.memory_space<vmem>>, vector<1x16xf32>,
        %get3A_380 = vector.shape_cast %get3A_379 : vector<1x16xf32> to vector<16xf32>
        %mul3A_381 = arith.mulf %get3A_376, %get3A_380 : vector<16xf32>
        %swap3A = arith.index_cast %scan3A_373 : i32 to index
        %swap3A_382 = arith.constant 0 : index
        %swap3A_383 = tpu.vector_load %arg11[%swap3A, %swap3A_382] {strides = array<i32>} : memref<88x128xf32, #tpu.memory_space<vmem>>, vector<1x16xf32>,
        %swap3A_384 = vector.shape_cast %swap3A_383 : vector<1x16xf32> to vector<16xf32>
        %swap3A_385 = vector.shape_cast %mul3A_381 : vector<16xf32> to vector<1x16xf32>
        tpu.vector_store %arg11[%swap3A, %swap3A_382], %swap3A_385 {strides = array<i32>} : memref<88x128xf32, #tpu.memory_space<vmem>>, vector<1x16xf32>,
        %get3A_386 = arith.index_cast %scan3A_373 : i32 to index
        %get3A_387 = arith.constant 16 : index
        %get3A_388 = tpu.vector_load %arg11[%get3A_386, %get3A_387] {strides = array<i32>} : memref<88x128xf32, #tpu.memory_space<vmem>>, vector<1x16xf32>,
        %get3A_389 = vector.shape_cast %get3A_388 : vector<1x16xf32> to vector<16xf32>
        %get3A_390 = arith.index_cast %scan3A_373 : i32 to index
        %get3A_391 = arith.constant 16 : index
        %get3A_392 = tpu.vector_load %arg13[%get3A_390, %get3A_391] {strides = array<i32>} : memref<88x128xf32, #tpu.memory_space<vmem>>, vector<1x16xf32>,
        %get3A_393 = vector.shape_cast %get3A_392 : vector<1x16xf32> to vector<16xf32>
        %mul3A_394 = arith.mulf %get3A_389, %get3A_393 : vector<16xf32>
        %swap3A_395 = arith.index_cast %scan3A_373 : i32 to index
        %swap3A_396 = arith.constant 16 : index
        %swap3A_397 = tpu.vector_load %arg11[%swap3A_395, %swap3A_396] {strides = array<i32>} : memref<88x128xf32, #tpu.memory_space<vmem>>, vector<1x16xf32>,
        %swap3A_398 = vector.shape_cast %swap3A_397 : vector<1x16xf32> to vector<16xf32>
        %swap3A_399 = vector.shape_cast %mul3A_394 : vector<16xf32> to vector<1x16xf32>
        tpu.vector_store %arg11[%swap3A_395, %swap3A_396], %swap3A_399 {strides = array<i32>} : memref<88x128xf32, #tpu.memory_space<vmem>>, vector<1x16xf32>,
        %get3A_400 = arith.index_cast %scan3A_373 : i32 to index
        %get3A_401 = arith.constant 32 : index
        %get3A_402 = tpu.vector_load %arg11[%get3A_400, %get3A_401] {strides = array<i32>} : memref<88x128xf32, #tpu.memory_space<vmem>>, vector<1x16xf32>,
        %get3A_403 = vector.shape_cast %get3A_402 : vector<1x16xf32> to vector<16xf32>
        %get3A_404 = arith.index_cast %scan3A_373 : i32 to index
        %get3A_405 = arith.constant 32 : index
        %get3A_406 = tpu.vector_load %arg13[%get3A_404, %get3A_405] {strides = array<i32>} : memref<88x128xf32, #tpu.memory_space<vmem>>, vector<1x16xf32>,
        %get3A_407 = vector.shape_cast %get3A_406 : vector<1x16xf32> to vector<16xf32>
        %mul3A_408 = arith.mulf %get3A_403, %get3A_407 : vector<16xf32>
        %swap3A_409 = arith.index_cast %scan3A_373 : i32 to index
        %swap3A_410 = arith.constant 32 : index
        %swap3A_411 = tpu.vector_load %arg11[%swap3A_409, %swap3A_410] {strides = array<i32>} : memref<88x128xf32, #tpu.memory_space<vmem>>, vector<1x16xf32>,
        %swap3A_412 = vector.shape_cast %swap3A_411 : vector<1x16xf32> to vector<16xf32>
        %swap3A_413 = vector.shape_cast %mul3A_408 : vector<16xf32> to vector<1x16xf32>
        tpu.vector_store %arg11[%swap3A_409, %swap3A_410], %swap3A_413 {strides = array<i32>} : memref<88x128xf32, #tpu.memory_space<vmem>>, vector<1x16xf32>,
        %get3A_414 = arith.index_cast %scan3A_373 : i32 to index
        %get3A_415 = arith.constant 48 : index
        %get3A_416 = tpu.vector_load %arg11[%get3A_414, %get3A_415] {strides = array<i32>} : memref<88x128xf32, #tpu.memory_space<vmem>>, vector<1x16xf32>,
        %get3A_417 = vector.shape_cast %get3A_416 : vector<1x16xf32> to vector<16xf32>
        %get3A_418 = arith.index_cast %scan3A_373 : i32 to index
        %get3A_419 = arith.constant 48 : index
        %get3A_420 = tpu.vector_load %arg13[%get3A_418, %get3A_419] {strides = array<i32>} : memref<88x128xf32, #tpu.memory_space<vmem>>, vector<1x16xf32>,
        %get3A_421 = vector.shape_cast %get3A_420 : vector<1x16xf32> to vector<16xf32>
        %mul3A_422 = arith.mulf %get3A_417, %get3A_421 : vector<16xf32>
        %swap3A_423 = arith.index_cast %scan3A_373 : i32 to index
        %swap3A_424 = arith.constant 48 : index
        %swap3A_425 = tpu.vector_load %arg11[%swap3A_423, %swap3A_424] {strides = array<i32>} : memref<88x128xf32, #tpu.memory_space<vmem>>, vector<1x16xf32>,
        %swap3A_426 = vector.shape_cast %swap3A_425 : vector<1x16xf32> to vector<16xf32>
        %swap3A_427 = vector.shape_cast %mul3A_422 : vector<16xf32> to vector<1x16xf32>
        tpu.vector_store %arg11[%swap3A_423, %swap3A_424], %swap3A_427 {strides = array<i32>} : memref<88x128xf32, #tpu.memory_space<vmem>>, vector<1x16xf32>,
        %get3A_428 = arith.index_cast %scan3A_373 : i32 to index
        %get3A_429 = arith.constant 64 : index
        %get3A_430 = tpu.vector_load %arg11[%get3A_428, %get3A_429] {strides = array<i32>} : memref<88x128xf32, #tpu.memory_space<vmem>>, vector<1x16xf32>,
        %get3A_431 = vector.shape_cast %get3A_430 : vector<1x16xf32> to vector<16xf32>
        %get3A_432 = arith.index_cast %scan3A_373 : i32 to index
        %get3A_433 = arith.constant 64 : index
        %get3A_434 = tpu.vector_load %arg13[%get3A_432, %get3A_433] {strides = array<i32>} : memref<88x128xf32, #tpu.memory_space<vmem>>, vector<1x16xf32>,
        %get3A_435 = vector.shape_cast %get3A_434 : vector<1x16xf32> to vector<16xf32>
        %mul3A_436 = arith.mulf %get3A_431, %get3A_435 : vector<16xf32>
        %swap3A_437 = arith.index_cast %scan3A_373 : i32 to index
        %swap3A_438 = arith.constant 64 : index
        %swap3A_439 = tpu.vector_load %arg11[%swap3A_437, %swap3A_438] {strides = array<i32>} : memref<88x128xf32, #tpu.memory_space<vmem>>, vector<1x16xf32>,
        %swap3A_440 = vector.shape_cast %swap3A_439 : vector<1x16xf32> to vector<16xf32>
        %swap3A_441 = vector.shape_cast %mul3A_436 : vector<16xf32> to vector<1x16xf32>
        tpu.vector_store %arg11[%swap3A_437, %swap3A_438], %swap3A_441 {strides = array<i32>} : memref<88x128xf32, #tpu.memory_space<vmem>>, vector<1x16xf32>,
        %get3A_442 = arith.index_cast %scan3A_373 : i32 to index
        %get3A_443 = arith.constant 80 : index
        %get3A_444 = tpu.vector_load %arg11[%get3A_442, %get3A_443] {strides = array<i32>} : memref<88x128xf32, #tpu.memory_space<vmem>>, vector<1x16xf32>,
        %get3A_445 = vector.shape_cast %get3A_444 : vector<1x16xf32> to vector<16xf32>
        %get3A_446 = arith.index_cast %scan3A_373 : i32 to index
        %get3A_447 = arith.constant 80 : index
        %get3A_448 = tpu.vector_load %arg13[%get3A_446, %get3A_447] {strides = array<i32>} : memref<88x128xf32, #tpu.memory_space<vmem>>, vector<1x16xf32>,
        %get3A_449 = vector.shape_cast %get3A_448 : vector<1x16xf32> to vector<16xf32>
        %mul3A_450 = arith.mulf %get3A_445, %get3A_449 : vector<16xf32>
        %swap3A_451 = arith.index_cast %scan3A_373 : i32 to index
        %swap3A_452 = arith.constant 80 : index
        %swap3A_453 = tpu.vector_load %arg11[%swap3A_451, %swap3A_452] {strides = array<i32>} : memref<88x128xf32, #tpu.memory_space<vmem>>, vector<1x16xf32>,
        %swap3A_454 = vector.shape_cast %swap3A_453 : vector<1x16xf32> to vector<16xf32>
        %swap3A_455 = vector.shape_cast %mul3A_450 : vector<16xf32> to vector<1x16xf32>
        tpu.vector_store %arg11[%swap3A_451, %swap3A_452], %swap3A_455 {strides = array<i32>} : memref<88x128xf32, #tpu.memory_space<vmem>>, vector<1x16xf32>,
        %get3A_456 = arith.index_cast %scan3A_373 : i32 to index
        %get3A_457 = arith.constant 96 : index
        %get3A_458 = tpu.vector_load %arg11[%get3A_456, %get3A_457] {strides = array<i32>} : memref<88x128xf32, #tpu.memory_space<vmem>>, vector<1x16xf32>,
        %get3A_459 = vector.shape_cast %get3A_458 : vector<1x16xf32> to vector<16xf32>
        %get3A_460 = arith.index_cast %scan3A_373 : i32 to index
        %get3A_461 = arith.constant 96 : index
        %get3A_462 = tpu.vector_load %arg13[%get3A_460, %get3A_461] {strides = array<i32>} : memref<88x128xf32, #tpu.memory_space<vmem>>, vector<1x16xf32>,
        %get3A_463 = vector.shape_cast %get3A_462 : vector<1x16xf32> to vector<16xf32>
        %mul3A_464 = arith.mulf %get3A_459, %get3A_463 : vector<16xf32>
        %swap3A_465 = arith.index_cast %scan3A_373 : i32 to index
        %swap3A_466 = arith.constant 96 : index
        %swap3A_467 = tpu.vector_load %arg11[%swap3A_465, %swap3A_466] {strides = array<i32>} : memref<88x128xf32, #tpu.memory_space<vmem>>, vector<1x16xf32>,
        %swap3A_468 = vector.shape_cast %swap3A_467 : vector<1x16xf32> to vector<16xf32>
        %swap3A_469 = vector.shape_cast %mul3A_464 : vector<16xf32> to vector<1x16xf32>
        tpu.vector_store %arg11[%swap3A_465, %swap3A_466], %swap3A_469 {strides = array<i32>} : memref<88x128xf32, #tpu.memory_space<vmem>>, vector<1x16xf32>,
        %get3A_470 = arith.index_cast %scan3A_373 : i32 to index
        %get3A_471 = arith.constant 112 : index
        %get3A_472 = tpu.vector_load %arg11[%get3A_470, %get3A_471] {strides = array<i32>} : memref<88x128xf32, #tpu.memory_space<vmem>>, vector<1x16xf32>,
        %get3A_473 = vector.shape_cast %get3A_472 : vector<1x16xf32> to vector<16xf32>
        %get3A_474 = arith.index_cast %scan3A_373 : i32 to index
        %get3A_475 = arith.constant 112 : index
        %get3A_476 = tpu.vector_load %arg13[%get3A_474, %get3A_475] {strides = array<i32>} : memref<88x128xf32, #tpu.memory_space<vmem>>, vector<1x16xf32>,
        %get3A_477 = vector.shape_cast %get3A_476 : vector<1x16xf32> to vector<16xf32>
        %mul3A_478 = arith.mulf %get3A_473, %get3A_477 : vector<16xf32>
        %swap3A_479 = arith.index_cast %scan3A_373 : i32 to index
        %swap3A_480 = arith.constant 112 : index
        %swap3A_481 = tpu.vector_load %arg11[%swap3A_479, %swap3A_480] {strides = array<i32>} : memref<88x128xf32, #tpu.memory_space<vmem>>, vector<1x16xf32>,
        %swap3A_482 = vector.shape_cast %swap3A_481 : vector<1x16xf32> to vector<16xf32>
        %swap3A_483 = vector.shape_cast %mul3A_478 : vector<16xf32> to vector<1x16xf32>
        tpu.vector_store %arg11[%swap3A_479, %swap3A_480], %swap3A_483 {strides = array<i32>} : memref<88x128xf32, #tpu.memory_space<vmem>>, vector<1x16xf32>,
      }
      %scan3A_284 = arith.constant 88 : i32
      %dma_start3A_285 = arith.constant 5 : i32
      %dma_start3A_286 = arith.constant 0 : i32
      %dma_start3A_287 = tpu.memref_slice %arg9[%dma_start3A_285, %dma_start3A_286] : memref<8x88xi32, #tpu.memory_space<vmem>> -> memref<1x88xi32, #tpu.memory_space<vmem>>
      %dma_start3A_288 = tpu.memref_squeeze %dma_start3A_287 : memref<1x88xi32, #tpu.memory_space<vmem>> -> memref<88xi32, #tpu.memory_space<vmem>>
      %dma_start3A_289 = arith.constant 0 : i32
      %dma_start3A_290 = arith.constant 0 : i32
      %dma_start3A_291 = tpu.memref_slice %arg14[%dma_start3A_289, %dma_start3A_290] : memref<10112x128xf32, #tpu.memory_space<vmem_shared>> -> memref<10112x128xf32, #tpu.memory_space<vmem_shared>>
      tpu.enqueue_indirect_dma source(%arg11 : memref<88x128xf32, #tpu.memory_space<vmem>>) target(%dma_start3A_291 : memref<10112x128xf32, #tpu.memory_space<vmem_shared>>) offsets(%dma_start3A_288 : memref<88xi32, #tpu.memory_space<vmem>>) semaphore(%arg17 : memref<!tpu.dma_semaphore, #tpu.memory_space<semaphore_mem>>) {add = true}
      %dma_wait3A_292 = arith.constant 0 : i32
      %dma_wait3A_293 = arith.constant 0 : i32
      %dma_wait3A_294 = tpu.memref_slice %arg14[%dma_wait3A_292, %dma_wait3A_293] : memref<10112x128xf32, #tpu.memory_space<vmem_shared>> -> memref<88x128xf32, #tpu.memory_space<vmem_shared>>
      %dma_wait3A_295 = arith.constant 0 : i32
      %dma_wait3A_296 = arith.constant 0 : i32
      %dma_wait3A_297 = tpu.memref_slice %arg2[%dma_wait3A_295, %dma_wait3A_296] : memref<10000x128xf32, #tpu.memory_space<hbm>> -> memref<88x128xf32, #tpu.memory_space<hbm>>
      tpu.wait_dma2 semaphore(%arg17 : memref<!tpu.dma_semaphore, #tpu.memory_space<semaphore_mem>>) src(%dma_wait3A_297 : memref<88x128xf32, #tpu.memory_space<hbm>>) dst(%dma_wait3A_294 : memref<88x128xf32, #tpu.memory_space<vmem_shared>>)
      %dma_start3A_298 = arith.constant 7 : i32
      %dma_start3A_299 = arith.constant 0 : i32
      %dma_start3A_300 = tpu.memref_slice %arg8[%dma_start3A_298, %dma_start3A_299] : memref<8x88xi32, #tpu.memory_space<vmem>> -> memref<1x88xi32, #tpu.memory_space<vmem>>
      %dma_start3A_301 = tpu.memref_squeeze %dma_start3A_300 : memref<1x88xi32, #tpu.memory_space<vmem>> -> memref<88xi32, #tpu.memory_space<vmem>>
      %dma_start3A_302 = arith.constant 0 : i32
      %dma_start3A_303 = arith.constant 0 : i32
      %dma_start3A_304 = tpu.memref_slice %arg2[%dma_start3A_302, %dma_start3A_303] : memref<10000x128xf32, #tpu.memory_space<hbm>> -> memref<10000x128xf32, #tpu.memory_space<hbm>>
      tpu.enqueue_indirect_dma source(%dma_start3A_304 : memref<10000x128xf32, #tpu.memory_space<hbm>>) target(%arg11 : memref<88x128xf32, #tpu.memory_space<vmem>>) offsets(%dma_start3A_301 : memref<88xi32, #tpu.memory_space<vmem>>) semaphore(%arg15 : memref<!tpu.dma_semaphore, #tpu.memory_space<semaphore_mem>>)
      %add3A_305 = arith.constant 616 : i32
      %add3A_306 = arith.addi %mul3A_22, %add3A_305 : i32
      %dma_start3A_307 = arith.constant 0 : i32
      %dma_start3A_308 = tpu.memref_slice %arg3[%add3A_306, %dma_start3A_307] : memref<337920x128xf32, #tpu.memory_space<hbm>> -> memref<88x128xf32, #tpu.memory_space<hbm>>
      %dma_start3A_309 = arith.constant 0 : i32
      %dma_start3A_310 = tpu.memref_slice %arg3[%add3A_306, %dma_start3A_309] : memref<337920x128xf32, #tpu.memory_space<hbm>> -> memref<88x128xf32, #tpu.memory_space<hbm>>
      tpu.enqueue_dma source(%dma_start3A_310 : memref<88x128xf32, #tpu.memory_space<hbm>>) target(%arg13 : memref<88x128xf32, #tpu.memory_space<vmem>>) target_semaphore(%arg16 : memref<!tpu.dma_semaphore, #tpu.memory_space<semaphore_mem>>)
      %dma_wait3A_311 = arith.constant 0 : i32
      %dma_wait3A_312 = arith.constant 0 : i32
      %dma_wait3A_313 = tpu.memref_slice %arg3[%dma_wait3A_311, %dma_wait3A_312] : memref<337920x128xf32, #tpu.memory_space<hbm>> -> memref<88x128xf32, #tpu.memory_space<hbm>>
      %dma_wait3A_314 = arith.constant 0 : i32
      %dma_wait3A_315 = arith.constant 0 : i32
      %dma_wait3A_316 = tpu.memref_slice %arg3[%dma_wait3A_314, %dma_wait3A_315] : memref<337920x128xf32, #tpu.memory_space<hbm>> -> memref<88x128xf32, #tpu.memory_space<hbm>>
      tpu.wait_dma2 semaphore(%arg15 : memref<!tpu.dma_semaphore, #tpu.memory_space<semaphore_mem>>) src(%dma_wait3A_316 : memref<88x128xf32, #tpu.memory_space<hbm>>) dst(%arg10 : memref<88x128xf32, #tpu.memory_space<vmem>>)
      %dma_wait3A_317 = arith.constant 0 : i32
      %dma_wait3A_318 = arith.constant 0 : i32
      %dma_wait3A_319 = tpu.memref_slice %arg3[%dma_wait3A_317, %dma_wait3A_318] : memref<337920x128xf32, #tpu.memory_space<hbm>> -> memref<88x128xf32, #tpu.memory_space<hbm>>
      %dma_wait3A_320 = arith.constant 0 : i32
      %dma_wait3A_321 = arith.constant 0 : i32
      %dma_wait3A_322 = tpu.memref_slice %arg3[%dma_wait3A_320, %dma_wait3A_321] : memref<337920x128xf32, #tpu.memory_space<hbm>> -> memref<88x128xf32, #tpu.memory_space<hbm>>
      tpu.wait_dma2 semaphore(%arg16 : memref<!tpu.dma_semaphore, #tpu.memory_space<semaphore_mem>>) src(%dma_wait3A_322 : memref<88x128xf32, #tpu.memory_space<hbm>>) dst(%arg12 : memref<88x128xf32, #tpu.memory_space<vmem>>)
      %scan3A_323 = arith.constant 0 : i32
      %scan3A_324 = arith.constant 0 : i32
      %scan3A_325 = arith.constant 88 : i32
      %scan3A_326 = arith.addi %scan3A_324, %scan3A_325 : i32
      %scan3A_327 = arith.constant 1 : i32
      scf.for %scan3A_373 = %scan3A_324 to %scan3A_326 step %scan3A_327  : i32 {
        %get3A = arith.index_cast %scan3A_373 : i32 to index
        %get3A_374 = arith.constant 0 : index
        %get3A_375 = tpu.vector_load %arg10[%get3A, %get3A_374] {strides = array<i32>} : memref<88x128xf32, #tpu.memory_space<vmem>>, vector<1x16xf32>,
        %get3A_376 = vector.shape_cast %get3A_375 : vector<1x16xf32> to vector<16xf32>
        %get3A_377 = arith.index_cast %scan3A_373 : i32 to index
        %get3A_378 = arith.constant 0 : index
        %get3A_379 = tpu.vector_load %arg12[%get3A_377, %get3A_378] {strides = array<i32>} : memref<88x128xf32, #tpu.memory_space<vmem>>, vector<1x16xf32>,
        %get3A_380 = vector.shape_cast %get3A_379 : vector<1x16xf32> to vector<16xf32>
        %mul3A_381 = arith.mulf %get3A_376, %get3A_380 : vector<16xf32>
        %swap3A = arith.index_cast %scan3A_373 : i32 to index
        %swap3A_382 = arith.constant 0 : index
        %swap3A_383 = tpu.vector_load %arg10[%swap3A, %swap3A_382] {strides = array<i32>} : memref<88x128xf32, #tpu.memory_space<vmem>>, vector<1x16xf32>,
        %swap3A_384 = vector.shape_cast %swap3A_383 : vector<1x16xf32> to vector<16xf32>
        %swap3A_385 = vector.shape_cast %mul3A_381 : vector<16xf32> to vector<1x16xf32>
        tpu.vector_store %arg10[%swap3A, %swap3A_382], %swap3A_385 {strides = array<i32>} : memref<88x128xf32, #tpu.memory_space<vmem>>, vector<1x16xf32>,
        %get3A_386 = arith.index_cast %scan3A_373 : i32 to index
        %get3A_387 = arith.constant 16 : index
        %get3A_388 = tpu.vector_load %arg10[%get3A_386, %get3A_387] {strides = array<i32>} : memref<88x128xf32, #tpu.memory_space<vmem>>, vector<1x16xf32>,
        %get3A_389 = vector.shape_cast %get3A_388 : vector<1x16xf32> to vector<16xf32>
        %get3A_390 = arith.index_cast %scan3A_373 : i32 to index
        %get3A_391 = arith.constant 16 : index
        %get3A_392 = tpu.vector_load %arg12[%get3A_390, %get3A_391] {strides = array<i32>} : memref<88x128xf32, #tpu.memory_space<vmem>>, vector<1x16xf32>,
        %get3A_393 = vector.shape_cast %get3A_392 : vector<1x16xf32> to vector<16xf32>
        %mul3A_394 = arith.mulf %get3A_389, %get3A_393 : vector<16xf32>
        %swap3A_395 = arith.index_cast %scan3A_373 : i32 to index
        %swap3A_396 = arith.constant 16 : index
        %swap3A_397 = tpu.vector_load %arg10[%swap3A_395, %swap3A_396] {strides = array<i32>} : memref<88x128xf32, #tpu.memory_space<vmem>>, vector<1x16xf32>,
        %swap3A_398 = vector.shape_cast %swap3A_397 : vector<1x16xf32> to vector<16xf32>
        %swap3A_399 = vector.shape_cast %mul3A_394 : vector<16xf32> to vector<1x16xf32>
        tpu.vector_store %arg10[%swap3A_395, %swap3A_396], %swap3A_399 {strides = array<i32>} : memref<88x128xf32, #tpu.memory_space<vmem>>, vector<1x16xf32>,
        %get3A_400 = arith.index_cast %scan3A_373 : i32 to index
        %get3A_401 = arith.constant 32 : index
        %get3A_402 = tpu.vector_load %arg10[%get3A_400, %get3A_401] {strides = array<i32>} : memref<88x128xf32, #tpu.memory_space<vmem>>, vector<1x16xf32>,
        %get3A_403 = vector.shape_cast %get3A_402 : vector<1x16xf32> to vector<16xf32>
        %get3A_404 = arith.index_cast %scan3A_373 : i32 to index
        %get3A_405 = arith.constant 32 : index
        %get3A_406 = tpu.vector_load %arg12[%get3A_404, %get3A_405] {strides = array<i32>} : memref<88x128xf32, #tpu.memory_space<vmem>>, vector<1x16xf32>,
        %get3A_407 = vector.shape_cast %get3A_406 : vector<1x16xf32> to vector<16xf32>
        %mul3A_408 = arith.mulf %get3A_403, %get3A_407 : vector<16xf32>
        %swap3A_409 = arith.index_cast %scan3A_373 : i32 to index
        %swap3A_410 = arith.constant 32 : index
        %swap3A_411 = tpu.vector_load %arg10[%swap3A_409, %swap3A_410] {strides = array<i32>} : memref<88x128xf32, #tpu.memory_space<vmem>>, vector<1x16xf32>,
        %swap3A_412 = vector.shape_cast %swap3A_411 : vector<1x16xf32> to vector<16xf32>
        %swap3A_413 = vector.shape_cast %mul3A_408 : vector<16xf32> to vector<1x16xf32>
        tpu.vector_store %arg10[%swap3A_409, %swap3A_410], %swap3A_413 {strides = array<i32>} : memref<88x128xf32, #tpu.memory_space<vmem>>, vector<1x16xf32>,
        %get3A_414 = arith.index_cast %scan3A_373 : i32 to index
        %get3A_415 = arith.constant 48 : index
        %get3A_416 = tpu.vector_load %arg10[%get3A_414, %get3A_415] {strides = array<i32>} : memref<88x128xf32, #tpu.memory_space<vmem>>, vector<1x16xf32>,
        %get3A_417 = vector.shape_cast %get3A_416 : vector<1x16xf32> to vector<16xf32>
        %get3A_418 = arith.index_cast %scan3A_373 : i32 to index
        %get3A_419 = arith.constant 48 : index
        %get3A_420 = tpu.vector_load %arg12[%get3A_418, %get3A_419] {strides = array<i32>} : memref<88x128xf32, #tpu.memory_space<vmem>>, vector<1x16xf32>,
        %get3A_421 = vector.shape_cast %get3A_420 : vector<1x16xf32> to vector<16xf32>
        %mul3A_422 = arith.mulf %get3A_417, %get3A_421 : vector<16xf32>
        %swap3A_423 = arith.index_cast %scan3A_373 : i32 to index
        %swap3A_424 = arith.constant 48 : index
        %swap3A_425 = tpu.vector_load %arg10[%swap3A_423, %swap3A_424] {strides = array<i32>} : memref<88x128xf32, #tpu.memory_space<vmem>>, vector<1x16xf32>,
        %swap3A_426 = vector.shape_cast %swap3A_425 : vector<1x16xf32> to vector<16xf32>
        %swap3A_427 = vector.shape_cast %mul3A_422 : vector<16xf32> to vector<1x16xf32>
        tpu.vector_store %arg10[%swap3A_423, %swap3A_424], %swap3A_427 {strides = array<i32>} : memref<88x128xf32, #tpu.memory_space<vmem>>, vector<1x16xf32>,
        %get3A_428 = arith.index_cast %scan3A_373 : i32 to index
        %get3A_429 = arith.constant 64 : index
        %get3A_430 = tpu.vector_load %arg10[%get3A_428, %get3A_429] {strides = array<i32>} : memref<88x128xf32, #tpu.memory_space<vmem>>, vector<1x16xf32>,
        %get3A_431 = vector.shape_cast %get3A_430 : vector<1x16xf32> to vector<16xf32>
        %get3A_432 = arith.index_cast %scan3A_373 : i32 to index
        %get3A_433 = arith.constant 64 : index
        %get3A_434 = tpu.vector_load %arg12[%get3A_432, %get3A_433] {strides = array<i32>} : memref<88x128xf32, #tpu.memory_space<vmem>>, vector<1x16xf32>,
        %get3A_435 = vector.shape_cast %get3A_434 : vector<1x16xf32> to vector<16xf32>
        %mul3A_436 = arith.mulf %get3A_431, %get3A_435 : vector<16xf32>
        %swap3A_437 = arith.index_cast %scan3A_373 : i32 to index
        %swap3A_438 = arith.constant 64 : index
        %swap3A_439 = tpu.vector_load %arg10[%swap3A_437, %swap3A_438] {strides = array<i32>} : memref<88x128xf32, #tpu.memory_space<vmem>>, vector<1x16xf32>,
        %swap3A_440 = vector.shape_cast %swap3A_439 : vector<1x16xf32> to vector<16xf32>
        %swap3A_441 = vector.shape_cast %mul3A_436 : vector<16xf32> to vector<1x16xf32>
        tpu.vector_store %arg10[%swap3A_437, %swap3A_438], %swap3A_441 {strides = array<i32>} : memref<88x128xf32, #tpu.memory_space<vmem>>, vector<1x16xf32>,
        %get3A_442 = arith.index_cast %scan3A_373 : i32 to index
        %get3A_443 = arith.constant 80 : index
        %get3A_444 = tpu.vector_load %arg10[%get3A_442, %get3A_443] {strides = array<i32>} : memref<88x128xf32, #tpu.memory_space<vmem>>, vector<1x16xf32>,
        %get3A_445 = vector.shape_cast %get3A_444 : vector<1x16xf32> to vector<16xf32>
        %get3A_446 = arith.index_cast %scan3A_373 : i32 to index
        %get3A_447 = arith.constant 80 : index
        %get3A_448 = tpu.vector_load %arg12[%get3A_446, %get3A_447] {strides = array<i32>} : memref<88x128xf32, #tpu.memory_space<vmem>>, vector<1x16xf32>,
        %get3A_449 = vector.shape_cast %get3A_448 : vector<1x16xf32> to vector<16xf32>
        %mul3A_450 = arith.mulf %get3A_445, %get3A_449 : vector<16xf32>
        %swap3A_451 = arith.index_cast %scan3A_373 : i32 to index
        %swap3A_452 = arith.constant 80 : index
        %swap3A_453 = tpu.vector_load %arg10[%swap3A_451, %swap3A_452] {strides = array<i32>} : memref<88x128xf32, #tpu.memory_space<vmem>>, vector<1x16xf32>,
        %swap3A_454 = vector.shape_cast %swap3A_453 : vector<1x16xf32> to vector<16xf32>
        %swap3A_455 = vector.shape_cast %mul3A_450 : vector<16xf32> to vector<1x16xf32>
        tpu.vector_store %arg10[%swap3A_451, %swap3A_452], %swap3A_455 {strides = array<i32>} : memref<88x128xf32, #tpu.memory_space<vmem>>, vector<1x16xf32>,
        %get3A_456 = arith.index_cast %scan3A_373 : i32 to index
        %get3A_457 = arith.constant 96 : index
        %get3A_458 = tpu.vector_load %arg10[%get3A_456, %get3A_457] {strides = array<i32>} : memref<88x128xf32, #tpu.memory_space<vmem>>, vector<1x16xf32>,
        %get3A_459 = vector.shape_cast %get3A_458 : vector<1x16xf32> to vector<16xf32>
        %get3A_460 = arith.index_cast %scan3A_373 : i32 to index
        %get3A_461 = arith.constant 96 : index
        %get3A_462 = tpu.vector_load %arg12[%get3A_460, %get3A_461] {strides = array<i32>} : memref<88x128xf32, #tpu.memory_space<vmem>>, vector<1x16xf32>,
        %get3A_463 = vector.shape_cast %get3A_462 : vector<1x16xf32> to vector<16xf32>
        %mul3A_464 = arith.mulf %get3A_459, %get3A_463 : vector<16xf32>
        %swap3A_465 = arith.index_cast %scan3A_373 : i32 to index
        %swap3A_466 = arith.constant 96 : index
        %swap3A_467 = tpu.vector_load %arg10[%swap3A_465, %swap3A_466] {strides = array<i32>} : memref<88x128xf32, #tpu.memory_space<vmem>>, vector<1x16xf32>,
        %swap3A_468 = vector.shape_cast %swap3A_467 : vector<1x16xf32> to vector<16xf32>
        %swap3A_469 = vector.shape_cast %mul3A_464 : vector<16xf32> to vector<1x16xf32>
        tpu.vector_store %arg10[%swap3A_465, %swap3A_466], %swap3A_469 {strides = array<i32>} : memref<88x128xf32, #tpu.memory_space<vmem>>, vector<1x16xf32>,
        %get3A_470 = arith.index_cast %scan3A_373 : i32 to index
        %get3A_471 = arith.constant 112 : index
        %get3A_472 = tpu.vector_load %arg10[%get3A_470, %get3A_471] {strides = array<i32>} : memref<88x128xf32, #tpu.memory_space<vmem>>, vector<1x16xf32>,
        %get3A_473 = vector.shape_cast %get3A_472 : vector<1x16xf32> to vector<16xf32>
        %get3A_474 = arith.index_cast %scan3A_373 : i32 to index
        %get3A_475 = arith.constant 112 : index
        %get3A_476 = tpu.vector_load %arg12[%get3A_474, %get3A_475] {strides = array<i32>} : memref<88x128xf32, #tpu.memory_space<vmem>>, vector<1x16xf32>,
        %get3A_477 = vector.shape_cast %get3A_476 : vector<1x16xf32> to vector<16xf32>
        %mul3A_478 = arith.mulf %get3A_473, %get3A_477 : vector<16xf32>
        %swap3A_479 = arith.index_cast %scan3A_373 : i32 to index
        %swap3A_480 = arith.constant 112 : index
        %swap3A_481 = tpu.vector_load %arg10[%swap3A_479, %swap3A_480] {strides = array<i32>} : memref<88x128xf32, #tpu.memory_space<vmem>>, vector<1x16xf32>,
        %swap3A_482 = vector.shape_cast %swap3A_481 : vector<1x16xf32> to vector<16xf32>
        %swap3A_483 = vector.shape_cast %mul3A_478 : vector<16xf32> to vector<1x16xf32>
        tpu.vector_store %arg10[%swap3A_479, %swap3A_480], %swap3A_483 {strides = array<i32>} : memref<88x128xf32, #tpu.memory_space<vmem>>, vector<1x16xf32>,
      }
      %scan3A_328 = arith.constant 88 : i32
      %dma_start3A_329 = arith.constant 6 : i32
      %dma_start3A_330 = arith.constant 0 : i32
      %dma_start3A_331 = tpu.memref_slice %arg9[%dma_start3A_329, %dma_start3A_330] : memref<8x88xi32, #tpu.memory_space<vmem>> -> memref<1x88xi32, #tpu.memory_space<vmem>>
      %dma_start3A_332 = tpu.memref_squeeze %dma_start3A_331 : memref<1x88xi32, #tpu.memory_space<vmem>> -> memref<88xi32, #tpu.memory_space<vmem>>
      %dma_start3A_333 = arith.constant 0 : i32
      %dma_start3A_334 = arith.constant 0 : i32
      %dma_start3A_335 = tpu.memref_slice %arg14[%dma_start3A_333, %dma_start3A_334] : memref<10112x128xf32, #tpu.memory_space<vmem_shared>> -> memref<10112x128xf32, #tpu.memory_space<vmem_shared>>
      tpu.enqueue_indirect_dma source(%arg10 : memref<88x128xf32, #tpu.memory_space<vmem>>) target(%dma_start3A_335 : memref<10112x128xf32, #tpu.memory_space<vmem_shared>>) offsets(%dma_start3A_332 : memref<88xi32, #tpu.memory_space<vmem>>) semaphore(%arg17 : memref<!tpu.dma_semaphore, #tpu.memory_space<semaphore_mem>>) {add = true}
      %dma_wait3A_336 = arith.constant 0 : i32
      %dma_wait3A_337 = arith.constant 0 : i32
      %dma_wait3A_338 = tpu.memref_slice %arg3[%dma_wait3A_336, %dma_wait3A_337] : memref<337920x128xf32, #tpu.memory_space<hbm>> -> memref<88x128xf32, #tpu.memory_space<hbm>>
      %dma_wait3A_339 = arith.constant 0 : i32
      %dma_wait3A_340 = arith.constant 0 : i32
      %dma_wait3A_341 = tpu.memref_slice %arg3[%dma_wait3A_339, %dma_wait3A_340] : memref<337920x128xf32, #tpu.memory_space<hbm>> -> memref<88x128xf32, #tpu.memory_space<hbm>>
      tpu.wait_dma2 semaphore(%arg15 : memref<!tpu.dma_semaphore, #tpu.memory_space<semaphore_mem>>) src(%dma_wait3A_341 : memref<88x128xf32, #tpu.memory_space<hbm>>) dst(%arg11 : memref<88x128xf32, #tpu.memory_space<vmem>>)
      %dma_wait3A_342 = arith.constant 0 : i32
      %dma_wait3A_343 = arith.constant 0 : i32
      %dma_wait3A_344 = tpu.memref_slice %arg3[%dma_wait3A_342, %dma_wait3A_343] : memref<337920x128xf32, #tpu.memory_space<hbm>> -> memref<88x128xf32, #tpu.memory_space<hbm>>
      %dma_wait3A_345 = arith.constant 0 : i32
      %dma_wait3A_346 = arith.constant 0 : i32
      %dma_wait3A_347 = tpu.memref_slice %arg3[%dma_wait3A_345, %dma_wait3A_346] : memref<337920x128xf32, #tpu.memory_space<hbm>> -> memref<88x128xf32, #tpu.memory_space<hbm>>
      tpu.wait_dma2 semaphore(%arg16 : memref<!tpu.dma_semaphore, #tpu.memory_space<semaphore_mem>>) src(%dma_wait3A_347 : memref<88x128xf32, #tpu.memory_space<hbm>>) dst(%arg13 : memref<88x128xf32, #tpu.memory_space<vmem>>)
      %scan3A_348 = arith.constant 0 : i32
      %scan3A_349 = arith.constant 0 : i32
      %scan3A_350 = arith.constant 88 : i32
      %scan3A_351 = arith.addi %scan3A_349, %scan3A_350 : i32
      %scan3A_352 = arith.constant 1 : i32
      scf.for %scan3A_373 = %scan3A_349 to %scan3A_351 step %scan3A_352  : i32 {
        %get3A = arith.index_cast %scan3A_373 : i32 to index
        %get3A_374 = arith.constant 0 : index
        %get3A_375 = tpu.vector_load %arg11[%get3A, %get3A_374] {strides = array<i32>} : memref<88x128xf32, #tpu.memory_space<vmem>>, vector<1x16xf32>,
        %get3A_376 = vector.shape_cast %get3A_375 : vector<1x16xf32> to vector<16xf32>
        %get3A_377 = arith.index_cast %scan3A_373 : i32 to index
        %get3A_378 = arith.constant 0 : index
        %get3A_379 = tpu.vector_load %arg13[%get3A_377, %get3A_378] {strides = array<i32>} : memref<88x128xf32, #tpu.memory_space<vmem>>, vector<1x16xf32>,
        %get3A_380 = vector.shape_cast %get3A_379 : vector<1x16xf32> to vector<16xf32>
        %mul3A_381 = arith.mulf %get3A_376, %get3A_380 : vector<16xf32>
        %swap3A = arith.index_cast %scan3A_373 : i32 to index
        %swap3A_382 = arith.constant 0 : index
        %swap3A_383 = tpu.vector_load %arg11[%swap3A, %swap3A_382] {strides = array<i32>} : memref<88x128xf32, #tpu.memory_space<vmem>>, vector<1x16xf32>,
        %swap3A_384 = vector.shape_cast %swap3A_383 : vector<1x16xf32> to vector<16xf32>
        %swap3A_385 = vector.shape_cast %mul3A_381 : vector<16xf32> to vector<1x16xf32>
        tpu.vector_store %arg11[%swap3A, %swap3A_382], %swap3A_385 {strides = array<i32>} : memref<88x128xf32, #tpu.memory_space<vmem>>, vector<1x16xf32>,
        %get3A_386 = arith.index_cast %scan3A_373 : i32 to index
        %get3A_387 = arith.constant 16 : index
        %get3A_388 = tpu.vector_load %arg11[%get3A_386, %get3A_387] {strides = array<i32>} : memref<88x128xf32, #tpu.memory_space<vmem>>, vector<1x16xf32>,
        %get3A_389 = vector.shape_cast %get3A_388 : vector<1x16xf32> to vector<16xf32>
        %get3A_390 = arith.index_cast %scan3A_373 : i32 to index
        %get3A_391 = arith.constant 16 : index
        %get3A_392 = tpu.vector_load %arg13[%get3A_390, %get3A_391] {strides = array<i32>} : memref<88x128xf32, #tpu.memory_space<vmem>>, vector<1x16xf32>,
        %get3A_393 = vector.shape_cast %get3A_392 : vector<1x16xf32> to vector<16xf32>
        %mul3A_394 = arith.mulf %get3A_389, %get3A_393 : vector<16xf32>
        %swap3A_395 = arith.index_cast %scan3A_373 : i32 to index
        %swap3A_396 = arith.constant 16 : index
        %swap3A_397 = tpu.vector_load %arg11[%swap3A_395, %swap3A_396] {strides = array<i32>} : memref<88x128xf32, #tpu.memory_space<vmem>>, vector<1x16xf32>,
        %swap3A_398 = vector.shape_cast %swap3A_397 : vector<1x16xf32> to vector<16xf32>
        %swap3A_399 = vector.shape_cast %mul3A_394 : vector<16xf32> to vector<1x16xf32>
        tpu.vector_store %arg11[%swap3A_395, %swap3A_396], %swap3A_399 {strides = array<i32>} : memref<88x128xf32, #tpu.memory_space<vmem>>, vector<1x16xf32>,
        %get3A_400 = arith.index_cast %scan3A_373 : i32 to index
        %get3A_401 = arith.constant 32 : index
        %get3A_402 = tpu.vector_load %arg11[%get3A_400, %get3A_401] {strides = array<i32>} : memref<88x128xf32, #tpu.memory_space<vmem>>, vector<1x16xf32>,
        %get3A_403 = vector.shape_cast %get3A_402 : vector<1x16xf32> to vector<16xf32>
        %get3A_404 = arith.index_cast %scan3A_373 : i32 to index
        %get3A_405 = arith.constant 32 : index
        %get3A_406 = tpu.vector_load %arg13[%get3A_404, %get3A_405] {strides = array<i32>} : memref<88x128xf32, #tpu.memory_space<vmem>>, vector<1x16xf32>,
        %get3A_407 = vector.shape_cast %get3A_406 : vector<1x16xf32> to vector<16xf32>
        %mul3A_408 = arith.mulf %get3A_403, %get3A_407 : vector<16xf32>
        %swap3A_409 = arith.index_cast %scan3A_373 : i32 to index
        %swap3A_410 = arith.constant 32 : index
        %swap3A_411 = tpu.vector_load %arg11[%swap3A_409, %swap3A_410] {strides = array<i32>} : memref<88x128xf32, #tpu.memory_space<vmem>>, vector<1x16xf32>,
        %swap3A_412 = vector.shape_cast %swap3A_411 : vector<1x16xf32> to vector<16xf32>
        %swap3A_413 = vector.shape_cast %mul3A_408 : vector<16xf32> to vector<1x16xf32>
        tpu.vector_store %arg11[%swap3A_409, %swap3A_410], %swap3A_413 {strides = array<i32>} : memref<88x128xf32, #tpu.memory_space<vmem>>, vector<1x16xf32>,
        %get3A_414 = arith.index_cast %scan3A_373 : i32 to index
        %get3A_415 = arith.constant 48 : index
        %get3A_416 = tpu.vector_load %arg11[%get3A_414, %get3A_415] {strides = array<i32>} : memref<88x128xf32, #tpu.memory_space<vmem>>, vector<1x16xf32>,
        %get3A_417 = vector.shape_cast %get3A_416 : vector<1x16xf32> to vector<16xf32>
        %get3A_418 = arith.index_cast %scan3A_373 : i32 to index
        %get3A_419 = arith.constant 48 : index
        %get3A_420 = tpu.vector_load %arg13[%get3A_418, %get3A_419] {strides = array<i32>} : memref<88x128xf32, #tpu.memory_space<vmem>>, vector<1x16xf32>,
        %get3A_421 = vector.shape_cast %get3A_420 : vector<1x16xf32> to vector<16xf32>
        %mul3A_422 = arith.mulf %get3A_417, %get3A_421 : vector<16xf32>
        %swap3A_423 = arith.index_cast %scan3A_373 : i32 to index
        %swap3A_424 = arith.constant 48 : index
        %swap3A_425 = tpu.vector_load %arg11[%swap3A_423, %swap3A_424] {strides = array<i32>} : memref<88x128xf32, #tpu.memory_space<vmem>>, vector<1x16xf32>,
        %swap3A_426 = vector.shape_cast %swap3A_425 : vector<1x16xf32> to vector<16xf32>
        %swap3A_427 = vector.shape_cast %mul3A_422 : vector<16xf32> to vector<1x16xf32>
        tpu.vector_store %arg11[%swap3A_423, %swap3A_424], %swap3A_427 {strides = array<i32>} : memref<88x128xf32, #tpu.memory_space<vmem>>, vector<1x16xf32>,
        %get3A_428 = arith.index_cast %scan3A_373 : i32 to index
        %get3A_429 = arith.constant 64 : index
        %get3A_430 = tpu.vector_load %arg11[%get3A_428, %get3A_429] {strides = array<i32>} : memref<88x128xf32, #tpu.memory_space<vmem>>, vector<1x16xf32>,
        %get3A_431 = vector.shape_cast %get3A_430 : vector<1x16xf32> to vector<16xf32>
        %get3A_432 = arith.index_cast %scan3A_373 : i32 to index
        %get3A_433 = arith.constant 64 : index
        %get3A_434 = tpu.vector_load %arg13[%get3A_432, %get3A_433] {strides = array<i32>} : memref<88x128xf32, #tpu.memory_space<vmem>>, vector<1x16xf32>,
        %get3A_435 = vector.shape_cast %get3A_434 : vector<1x16xf32> to vector<16xf32>
        %mul3A_436 = arith.mulf %get3A_431, %get3A_435 : vector<16xf32>
        %swap3A_437 = arith.index_cast %scan3A_373 : i32 to index
        %swap3A_438 = arith.constant 64 : index
        %swap3A_439 = tpu.vector_load %arg11[%swap3A_437, %swap3A_438] {strides = array<i32>} : memref<88x128xf32, #tpu.memory_space<vmem>>, vector<1x16xf32>,
        %swap3A_440 = vector.shape_cast %swap3A_439 : vector<1x16xf32> to vector<16xf32>
        %swap3A_441 = vector.shape_cast %mul3A_436 : vector<16xf32> to vector<1x16xf32>
        tpu.vector_store %arg11[%swap3A_437, %swap3A_438], %swap3A_441 {strides = array<i32>} : memref<88x128xf32, #tpu.memory_space<vmem>>, vector<1x16xf32>,
        %get3A_442 = arith.index_cast %scan3A_373 : i32 to index
        %get3A_443 = arith.constant 80 : index
        %get3A_444 = tpu.vector_load %arg11[%get3A_442, %get3A_443] {strides = array<i32>} : memref<88x128xf32, #tpu.memory_space<vmem>>, vector<1x16xf32>,
        %get3A_445 = vector.shape_cast %get3A_444 : vector<1x16xf32> to vector<16xf32>
        %get3A_446 = arith.index_cast %scan3A_373 : i32 to index
        %get3A_447 = arith.constant 80 : index
        %get3A_448 = tpu.vector_load %arg13[%get3A_446, %get3A_447] {strides = array<i32>} : memref<88x128xf32, #tpu.memory_space<vmem>>, vector<1x16xf32>,
        %get3A_449 = vector.shape_cast %get3A_448 : vector<1x16xf32> to vector<16xf32>
        %mul3A_450 = arith.mulf %get3A_445, %get3A_449 : vector<16xf32>
        %swap3A_451 = arith.index_cast %scan3A_373 : i32 to index
        %swap3A_452 = arith.constant 80 : index
        %swap3A_453 = tpu.vector_load %arg11[%swap3A_451, %swap3A_452] {strides = array<i32>} : memref<88x128xf32, #tpu.memory_space<vmem>>, vector<1x16xf32>,
        %swap3A_454 = vector.shape_cast %swap3A_453 : vector<1x16xf32> to vector<16xf32>
        %swap3A_455 = vector.shape_cast %mul3A_450 : vector<16xf32> to vector<1x16xf32>
        tpu.vector_store %arg11[%swap3A_451, %swap3A_452], %swap3A_455 {strides = array<i32>} : memref<88x128xf32, #tpu.memory_space<vmem>>, vector<1x16xf32>,
        %get3A_456 = arith.index_cast %scan3A_373 : i32 to index
        %get3A_457 = arith.constant 96 : index
        %get3A_458 = tpu.vector_load %arg11[%get3A_456, %get3A_457] {strides = array<i32>} : memref<88x128xf32, #tpu.memory_space<vmem>>, vector<1x16xf32>,
        %get3A_459 = vector.shape_cast %get3A_458 : vector<1x16xf32> to vector<16xf32>
        %get3A_460 = arith.index_cast %scan3A_373 : i32 to index
        %get3A_461 = arith.constant 96 : index
        %get3A_462 = tpu.vector_load %arg13[%get3A_460, %get3A_461] {strides = array<i32>} : memref<88x128xf32, #tpu.memory_space<vmem>>, vector<1x16xf32>,
        %get3A_463 = vector.shape_cast %get3A_462 : vector<1x16xf32> to vector<16xf32>
        %mul3A_464 = arith.mulf %get3A_459, %get3A_463 : vector<16xf32>
        %swap3A_465 = arith.index_cast %scan3A_373 : i32 to index
        %swap3A_466 = arith.constant 96 : index
        %swap3A_467 = tpu.vector_load %arg11[%swap3A_465, %swap3A_466] {strides = array<i32>} : memref<88x128xf32, #tpu.memory_space<vmem>>, vector<1x16xf32>,
        %swap3A_468 = vector.shape_cast %swap3A_467 : vector<1x16xf32> to vector<16xf32>
        %swap3A_469 = vector.shape_cast %mul3A_464 : vector<16xf32> to vector<1x16xf32>
        tpu.vector_store %arg11[%swap3A_465, %swap3A_466], %swap3A_469 {strides = array<i32>} : memref<88x128xf32, #tpu.memory_space<vmem>>, vector<1x16xf32>,
        %get3A_470 = arith.index_cast %scan3A_373 : i32 to index
        %get3A_471 = arith.constant 112 : index
        %get3A_472 = tpu.vector_load %arg11[%get3A_470, %get3A_471] {strides = array<i32>} : memref<88x128xf32, #tpu.memory_space<vmem>>, vector<1x16xf32>,
        %get3A_473 = vector.shape_cast %get3A_472 : vector<1x16xf32> to vector<16xf32>
        %get3A_474 = arith.index_cast %scan3A_373 : i32 to index
        %get3A_475 = arith.constant 112 : index
        %get3A_476 = tpu.vector_load %arg13[%get3A_474, %get3A_475] {strides = array<i32>} : memref<88x128xf32, #tpu.memory_space<vmem>>, vector<1x16xf32>,
        %get3A_477 = vector.shape_cast %get3A_476 : vector<1x16xf32> to vector<16xf32>
        %mul3A_478 = arith.mulf %get3A_473, %get3A_477 : vector<16xf32>
        %swap3A_479 = arith.index_cast %scan3A_373 : i32 to index
        %swap3A_480 = arith.constant 112 : index
        %swap3A_481 = tpu.vector_load %arg11[%swap3A_479, %swap3A_480] {strides = array<i32>} : memref<88x128xf32, #tpu.memory_space<vmem>>, vector<1x16xf32>,
        %swap3A_482 = vector.shape_cast %swap3A_481 : vector<1x16xf32> to vector<16xf32>
        %swap3A_483 = vector.shape_cast %mul3A_478 : vector<16xf32> to vector<1x16xf32>
        tpu.vector_store %arg11[%swap3A_479, %swap3A_480], %swap3A_483 {strides = array<i32>} : memref<88x128xf32, #tpu.memory_space<vmem>>, vector<1x16xf32>,
      }
      %scan3A_353 = arith.constant 88 : i32
      %dma_start3A_354 = arith.constant 7 : i32
      %dma_start3A_355 = arith.constant 0 : i32
      %dma_start3A_356 = tpu.memref_slice %arg9[%dma_start3A_354, %dma_start3A_355] : memref<8x88xi32, #tpu.memory_space<vmem>> -> memref<1x88xi32, #tpu.memory_space<vmem>>
      %dma_start3A_357 = tpu.memref_squeeze %dma_start3A_356 : memref<1x88xi32, #tpu.memory_space<vmem>> -> memref<88xi32, #tpu.memory_space<vmem>>
      %dma_start3A_358 = arith.constant 0 : i32
      %dma_start3A_359 = arith.constant 0 : i32
      %dma_start3A_360 = tpu.memref_slice %arg14[%dma_start3A_358, %dma_start3A_359] : memref<10112x128xf32, #tpu.memory_space<vmem_shared>> -> memref<10112x128xf32, #tpu.memory_space<vmem_shared>>
      tpu.enqueue_indirect_dma source(%arg11 : memref<88x128xf32, #tpu.memory_space<vmem>>) target(%dma_start3A_360 : memref<10112x128xf32, #tpu.memory_space<vmem_shared>>) offsets(%dma_start3A_357 : memref<88xi32, #tpu.memory_space<vmem>>) semaphore(%arg17 : memref<!tpu.dma_semaphore, #tpu.memory_space<semaphore_mem>>) {add = true}
      %dma_wait3A_361 = arith.constant 0 : i32
      %dma_wait3A_362 = arith.constant 0 : i32
      %dma_wait3A_363 = tpu.memref_slice %arg14[%dma_wait3A_361, %dma_wait3A_362] : memref<10112x128xf32, #tpu.memory_space<vmem_shared>> -> memref<88x128xf32, #tpu.memory_space<vmem_shared>>
      %dma_wait3A_364 = arith.constant 0 : i32
      %dma_wait3A_365 = arith.constant 0 : i32
      %dma_wait3A_366 = tpu.memref_slice %arg2[%dma_wait3A_364, %dma_wait3A_365] : memref<10000x128xf32, #tpu.memory_space<hbm>> -> memref<88x128xf32, #tpu.memory_space<hbm>>
      tpu.wait_dma2 semaphore(%arg17 : memref<!tpu.dma_semaphore, #tpu.memory_space<semaphore_mem>>) src(%dma_wait3A_366 : memref<88x128xf32, #tpu.memory_space<hbm>>) dst(%dma_wait3A_363 : memref<88x128xf32, #tpu.memory_space<vmem_shared>>)
      %dma_wait3A_367 = arith.constant 0 : i32
      %dma_wait3A_368 = arith.constant 0 : i32
      %dma_wait3A_369 = tpu.memref_slice %arg14[%dma_wait3A_367, %dma_wait3A_368] : memref<10112x128xf32, #tpu.memory_space<vmem_shared>> -> memref<88x128xf32, #tpu.memory_space<vmem_shared>>
      %dma_wait3A_370 = arith.constant 0 : i32
      %dma_wait3A_371 = arith.constant 0 : i32
      %dma_wait3A_372 = tpu.memref_slice %arg2[%dma_wait3A_370, %dma_wait3A_371] : memref<10000x128xf32, #tpu.memory_space<hbm>> -> memref<88x128xf32, #tpu.memory_space<hbm>>
      tpu.wait_dma2 semaphore(%arg17 : memref<!tpu.dma_semaphore, #tpu.memory_space<semaphore_mem>>) src(%dma_wait3A_372 : memref<88x128xf32, #tpu.memory_space<hbm>>) dst(%dma_wait3A_369 : memref<88x128xf32, #tpu.memory_space<vmem_shared>>)
    }
    %scan3A_9 = arith.constant 15 : i32
    %barrier3A_10 = arith.constant 0 : index
    tpu.barrier barrier_id(%barrier3A_10)
    %mul3A_11 = arith.constant 632 : i32
    %mul3A_12 = arith.muli %arg1, %mul3A_11 : i32
    %mul3A_13 = arith.constant 632 : i32
    %mul3A_14 = arith.muli %arg1, %mul3A_13 : i32
    "tpu.region"() ({
      %run_scoped3A = tpu.sem_alloc : memref<!tpu.dma_semaphore, #tpu.memory_space<semaphore_mem>>
      %dma_start3A = arith.constant 0 : i32
      %dma_start3A_15 = tpu.memref_slice %arg7[%arg0, %mul3A_14, %dma_start3A] : memref<2x10112x128xf32, #tpu.memory_space<hbm>> -> memref<1x632x128xf32, #tpu.memory_space<hbm>>
      %dma_start3A_16 = tpu.memref_squeeze %dma_start3A_15 : memref<1x632x128xf32, #tpu.memory_space<hbm>> -> memref<632x128xf32, #tpu.memory_space<hbm>>
      %dma_start3A_17 = arith.constant 0 : i32
      %dma_start3A_18 = tpu.memref_slice %arg14[%mul3A_12, %dma_start3A_17] : memref<10112x128xf32, #tpu.memory_space<vmem_shared>> -> memref<632x128xf32, #tpu.memory_space<vmem_shared>>
      tpu.enqueue_dma source(%dma_start3A_18 : memref<632x128xf32, #tpu.memory_space<vmem_shared>>) target(%dma_start3A_16 : memref<632x128xf32, #tpu.memory_space<hbm>>) target_semaphore(%run_scoped3A : memref<!tpu.dma_semaphore, #tpu.memory_space<semaphore_mem>>)
      %dma_wait3A = arith.constant 0 : i32
      %dma_wait3A_19 = tpu.memref_slice %arg7[%arg0, %mul3A_14, %dma_wait3A] : memref<2x10112x128xf32, #tpu.memory_space<hbm>> -> memref<1x632x128xf32, #tpu.memory_space<hbm>>
      %dma_wait3A_20 = tpu.memref_squeeze %dma_wait3A_19 : memref<1x632x128xf32, #tpu.memory_space<hbm>> -> memref<632x128xf32, #tpu.memory_space<hbm>>
      %dma_wait3A_21 = arith.constant 0 : i32
      %dma_wait3A_22 = tpu.memref_slice %arg14[%mul3A_12, %dma_wait3A_21] : memref<10112x128xf32, #tpu.memory_space<vmem_shared>> -> memref<632x128xf32, #tpu.memory_space<vmem_shared>>
      tpu.wait_dma2 semaphore(%run_scoped3A : memref<!tpu.dma_semaphore, #tpu.memory_space<semaphore_mem>>) src(%dma_wait3A_22 : memref<632x128xf32, #tpu.memory_space<vmem_shared>>) dst(%dma_wait3A_20 : memref<632x128xf32, #tpu.memory_space<hbm>>)
      tpu.yield
    }) : () -> ()
    return
  }
}

module attributes {stable_mosaic.version = 14 : i64} {
  func.func @_pre_body(%arg0: i32, %arg1: memref<2000x128xf32, #tpu.memory_space<vmem>>, %arg2: memref<128x128xf32, #tpu.memory_space<vmem>>, %arg3: memref<1x128xf32, #tpu.memory_space<vmem>>, %arg4: memref<2000x128xf32, #tpu.memory_space<vmem>>) attributes {dimension_semantics = [#tpu.dimension_semantics<arbitrary>], iteration_bounds = array<i64: 5>, scalar_prefetch = 0 : i64, scratch_operands = 0 : i64, tpu.core_type = #tpu.core_type<tc>, window_params = [{transform_indices = @transform_0, window_bounds = array<i64: 2000, 128>}, {pipeline_mode = #tpu.pipeline_mode<synchronous>, transform_indices = @transform_1, window_bounds = array<i64: 128, 128>}, {pipeline_mode = #tpu.pipeline_mode<synchronous>, transform_indices = @transform_2, window_bounds = array<i64: 1, 128>}, {transform_indices = @transform_3, window_bounds = array<i64: 2000, 128>}]} {
    %get3A = arith.constant 0 : index
    %get3A_0 = arith.constant 0 : index
    %get3A_1 = vector.load %arg1[%get3A, %get3A_0] : memref<2000x128xf32, #tpu.memory_space<vmem>>, vector<2000x128xf32>
    %get3A_2 = arith.constant 0 : index
    %get3A_3 = arith.constant 0 : index
    %get3A_4 = vector.load %arg2[%get3A_2, %get3A_3] : memref<128x128xf32, #tpu.memory_space<vmem>>, vector<128x128xf32>
    %dot_general3A = arith.constant dense<0.000000e+00> : vector<2000x128xf32>
    %dot_general3A_5 = tpu.matmul %get3A_1, %get3A_4, %dot_general3A {dimension_numbers = #tpu.dot_dimension_numbers<[1], [0], [0], [1], [0, 0, 1, 1], [], []>, transpose_lhs_hint = false} : vector<2000x128xf32>, vector<128x128xf32>, vector<2000x128xf32> -> vector<2000x128xf32>
    %get3A_6 = arith.constant 0 : index
    %get3A_7 = arith.constant 0 : index
    %get3A_8 = vector.load %arg3[%get3A_6, %get3A_7] : memref<1x128xf32, #tpu.memory_space<vmem>>, vector<1x128xf32>
    %add3A = vector.broadcast %get3A_8 : vector<1x128xf32> to vector<2000x128xf32>
    %add3A_9 = arith.addf %dot_general3A_5, %add3A : vector<2000x128xf32>
    %swap3A = arith.constant 0 : index
    %swap3A_10 = arith.constant 0 : index
    %swap3A_11 = vector.load %arg4[%swap3A, %swap3A_10] : memref<2000x128xf32, #tpu.memory_space<vmem>>, vector<2000x128xf32>
    tpu.vector_store %arg4[%swap3A, %swap3A_10], %add3A_9 {strides = array<i32>} : memref<2000x128xf32, #tpu.memory_space<vmem>>, vector<2000x128xf32>,
    return
  }
  func.func @transform_0(%arg0: i32) -> (i32, i32) {
    %c0_i32 = arith.constant 0 : i32
    %c0_i32_0 = arith.constant 0 : i32
    return %arg0, %c0_i32 : i32, i32
  }
  func.func @transform_1(%arg0: i32) -> (i32, i32) {
    %c0_i32 = arith.constant 0 : i32
    %c0_i32_0 = arith.constant 0 : i32
    %c0_i32_1 = arith.constant 0 : i32
    return %c0_i32, %c0_i32_0 : i32, i32
  }
  func.func @transform_2(%arg0: i32) -> (i32, i32) {
    %c0_i32 = arith.constant 0 : i32
    %c0_i32_0 = arith.constant 0 : i32
    %c0_i32_1 = arith.constant 0 : i32
    return %c0_i32, %c0_i32_0 : i32, i32
  }
  func.func @transform_3(%arg0: i32) -> (i32, i32) {
    %c0_i32 = arith.constant 0 : i32
    %c0_i32_0 = arith.constant 0 : i32
    return %arg0, %c0_i32 : i32, i32
  }
}

module attributes {stable_mosaic.version = 14 : i64} {
  func.func @_tpw_body(%arg0: i32, %arg1: memref<1024x16xf32, #tpu.memory_space<vmem>>, %arg2: memref<16x128xf32, #tpu.memory_space<vmem>>, %arg3: memref<1x128xf32, #tpu.memory_space<vmem>>, %arg4: memref<128x128xf32, #tpu.memory_space<vmem>>, %arg5: memref<1x128xf32, #tpu.memory_space<vmem>>, %arg6: memref<1024x128xf32, #tpu.memory_space<vmem>>) attributes {dimension_semantics = [#tpu.dimension_semantics<arbitrary>], iteration_bounds = array<i64: 330>, scalar_prefetch = 0 : i64, scratch_operands = 0 : i64, tpu.core_type = #tpu.core_type<tc>, window_params = [{transform_indices = @transform_0, window_bounds = array<i64: 1024, 16>}, {pipeline_mode = #tpu.pipeline_mode<synchronous>, transform_indices = @transform_1, window_bounds = array<i64: 16, 128>}, {pipeline_mode = #tpu.pipeline_mode<synchronous>, transform_indices = @transform_2, window_bounds = array<i64: 1, 128>}, {pipeline_mode = #tpu.pipeline_mode<synchronous>, transform_indices = @transform_3, window_bounds = array<i64: 128, 128>}, {pipeline_mode = #tpu.pipeline_mode<synchronous>, transform_indices = @transform_4, window_bounds = array<i64: 1, 128>}, {transform_indices = @transform_5, window_bounds = array<i64: 1024, 128>}]} {
    %get3A = arith.constant 0 : index
    %get3A_0 = arith.constant 0 : index
    %get3A_1 = vector.load %arg1[%get3A, %get3A_0] : memref<1024x16xf32, #tpu.memory_space<vmem>>, vector<1024x16xf32>
    %get3A_2 = arith.constant 0 : index
    %get3A_3 = arith.constant 0 : index
    %get3A_4 = vector.load %arg2[%get3A_2, %get3A_3] : memref<16x128xf32, #tpu.memory_space<vmem>>, vector<16x128xf32>
    %dot_general3A = arith.constant dense<0.000000e+00> : vector<1024x128xf32>
    %dot_general3A_5 = tpu.matmul %get3A_1, %get3A_4, %dot_general3A {dimension_numbers = #tpu.dot_dimension_numbers<[1], [0], [0], [1], [0, 0, 1, 1], [], []>, transpose_lhs_hint = false} : vector<1024x16xf32>, vector<16x128xf32>, vector<1024x128xf32> -> vector<1024x128xf32>
    %get3A_6 = arith.constant 0 : index
    %get3A_7 = arith.constant 0 : index
    %get3A_8 = vector.load %arg3[%get3A_6, %get3A_7] : memref<1x128xf32, #tpu.memory_space<vmem>>, vector<1x128xf32>
    %add3A = vector.broadcast %get3A_8 : vector<1x128xf32> to vector<1024x128xf32>
    %add3A_9 = arith.addf %dot_general3A_5, %add3A : vector<1024x128xf32>
    %logistic3A = arith.negf %add3A_9 : vector<1024x128xf32>
    %logistic3A_10 = math.exp %logistic3A : vector<1024x128xf32>
    %logistic3A_11 = arith.constant 1.000000e+00 : f32
    %logistic3A_12 = vector.broadcast %logistic3A_11 : f32 to vector<1024x128xf32>
    %logistic3A_13 = arith.addf %logistic3A_12, %logistic3A_10 : vector<1024x128xf32>
    %logistic3A_14 = arith.divf %logistic3A_12, %logistic3A_13 : vector<1024x128xf32>
    %mul3A = arith.mulf %add3A_9, %logistic3A_14 : vector<1024x128xf32>
    %get3A_15 = arith.constant 0 : index
    %get3A_16 = arith.constant 0 : index
    %get3A_17 = vector.load %arg4[%get3A_15, %get3A_16] : memref<128x128xf32, #tpu.memory_space<vmem>>, vector<128x128xf32>
    %dot_general3A_18 = arith.constant dense<0.000000e+00> : vector<1024x128xf32>
    %dot_general3A_19 = tpu.matmul %mul3A, %get3A_17, %dot_general3A_18 {dimension_numbers = #tpu.dot_dimension_numbers<[1], [0], [0], [1], [0, 0, 1, 1], [], []>, transpose_lhs_hint = false} : vector<1024x128xf32>, vector<128x128xf32>, vector<1024x128xf32> -> vector<1024x128xf32>
    %get3A_20 = arith.constant 0 : index
    %get3A_21 = arith.constant 0 : index
    %get3A_22 = vector.load %arg5[%get3A_20, %get3A_21] : memref<1x128xf32, #tpu.memory_space<vmem>>, vector<1x128xf32>
    %add3A_23 = vector.broadcast %get3A_22 : vector<1x128xf32> to vector<1024x128xf32>
    %add3A_24 = arith.addf %dot_general3A_19, %add3A_23 : vector<1024x128xf32>
    %mul3A_25 = arith.constant 1024 : i32
    %mul3A_26 = arith.muli %arg0, %mul3A_25 : i32
    %iota3A = tpu.iota {dimensions = array<i32: 0>} : vector<1024x1xi32>
    %add3A_27 = vector.broadcast %mul3A_26 : i32 to vector<1024x1xi32>
    %add3A_28 = arith.addi %add3A_27, %iota3A : vector<1024x1xi32>
    %lt3A = arith.constant 320000 : i32
    %lt3A_29 = vector.broadcast %lt3A : i32 to vector<1024x1xi32>
    %lt3A_30 = arith.cmpi slt, %add3A_28, %lt3A_29 : vector<1024x1xi32>
    %jit3A = arith.constant 0.000000e+00 : f32
    %broadcast_in_dim3A = vector.shape_cast %lt3A_30 : vector<1024x1xi1> to vector<1024x1xi1>
    %broadcast_in_dim3A_31 = vector.broadcast %broadcast_in_dim3A : vector<1024x1xi1> to vector<1024x128xi1>
    %broadcast_in_dim3A_32 = vector.broadcast %jit3A : f32 to vector<1024x128xf32>
    %select_n3A = arith.select %broadcast_in_dim3A_31, %add3A_24, %broadcast_in_dim3A_32 : vector<1024x128xi1>, vector<1024x128xf32>
    %swap3A = arith.constant 0 : index
    %swap3A_33 = arith.constant 0 : index
    %swap3A_34 = vector.load %arg6[%swap3A, %swap3A_33] : memref<1024x128xf32, #tpu.memory_space<vmem>>, vector<1024x128xf32>
    tpu.vector_store %arg6[%swap3A, %swap3A_33], %select_n3A {strides = array<i32>} : memref<1024x128xf32, #tpu.memory_space<vmem>>, vector<1024x128xf32>,
    return
  }
  func.func @transform_0(%arg0: i32) -> (i32, i32) {
    %c0_i32 = arith.constant 0 : i32
    %c0_i32_0 = arith.constant 0 : i32
    return %arg0, %c0_i32 : i32, i32
  }
  func.func @transform_1(%arg0: i32) -> (i32, i32) {
    %c0_i32 = arith.constant 0 : i32
    %c0_i32_0 = arith.constant 0 : i32
    %c0_i32_1 = arith.constant 0 : i32
    return %c0_i32, %c0_i32_0 : i32, i32
  }
  func.func @transform_2(%arg0: i32) -> (i32, i32) {
    %c0_i32 = arith.constant 0 : i32
    %c0_i32_0 = arith.constant 0 : i32
    %c0_i32_1 = arith.constant 0 : i32
    return %c0_i32, %c0_i32_0 : i32, i32
  }
  func.func @transform_3(%arg0: i32) -> (i32, i32) {
    %c0_i32 = arith.constant 0 : i32
    %c0_i32_0 = arith.constant 0 : i32
    %c0_i32_1 = arith.constant 0 : i32
    return %c0_i32, %c0_i32_0 : i32, i32
  }
  func.func @transform_4(%arg0: i32) -> (i32, i32) {
    %c0_i32 = arith.constant 0 : i32
    %c0_i32_0 = arith.constant 0 : i32
    %c0_i32_1 = arith.constant 0 : i32
    return %c0_i32, %c0_i32_0 : i32, i32
  }
  func.func @transform_5(%arg0: i32) -> (i32, i32) {
    %c0_i32 = arith.constant 0 : i32
    %c0_i32_0 = arith.constant 0 : i32
    return %arg0, %c0_i32 : i32, i32
  }
}

module attributes {stable_mosaic.version = 14 : i64} {
  func.func @_post_body(%arg0: i32, %arg1: memref<2x2000x128xf32, #tpu.memory_space<vmem>>, %arg2: memref<2000x128xf32, #tpu.memory_space<vmem>>, %arg3: memref<128x128xf32, #tpu.memory_space<vmem>>, %arg4: memref<2000x128xf32, #tpu.memory_space<vmem>>) attributes {dimension_semantics = [#tpu.dimension_semantics<arbitrary>], iteration_bounds = array<i64: 5>, scalar_prefetch = 0 : i64, scratch_operands = 0 : i64, tpu.core_type = #tpu.core_type<tc>, window_params = [{transform_indices = @transform_0, window_bounds = array<i64: 2, 2000, 128>}, {transform_indices = @transform_1, window_bounds = array<i64: 2000, 128>}, {pipeline_mode = #tpu.pipeline_mode<synchronous>, transform_indices = @transform_2, window_bounds = array<i64: 128, 128>}, {transform_indices = @transform_3, window_bounds = array<i64: 2000, 128>}]} {
    %get3A = arith.constant 0 : index
    %get3A_0 = arith.constant 0 : index
    %get3A_1 = arith.constant 0 : index
    %get3A_2 = vector.load %arg1[%get3A, %get3A_0, %get3A_1] : memref<2x2000x128xf32, #tpu.memory_space<vmem>>, vector<1x2000x128xf32>
    %get3A_3 = vector.shape_cast %get3A_2 : vector<1x2000x128xf32> to vector<2000x128xf32>
    %get3A_4 = arith.constant 1 : index
    %get3A_5 = arith.constant 0 : index
    %get3A_6 = arith.constant 0 : index
    %get3A_7 = vector.load %arg1[%get3A_4, %get3A_5, %get3A_6] : memref<2x2000x128xf32, #tpu.memory_space<vmem>>, vector<1x2000x128xf32>
    %get3A_8 = vector.shape_cast %get3A_7 : vector<1x2000x128xf32> to vector<2000x128xf32>
    %add3A = arith.addf %get3A_3, %get3A_8 : vector<2000x128xf32>
    %logistic3A = arith.negf %add3A : vector<2000x128xf32>
    %logistic3A_9 = math.exp %logistic3A : vector<2000x128xf32>
    %logistic3A_10 = arith.constant 1.000000e+00 : f32
    %logistic3A_11 = vector.broadcast %logistic3A_10 : f32 to vector<2000x128xf32>
    %logistic3A_12 = arith.addf %logistic3A_11, %logistic3A_9 : vector<2000x128xf32>
    %logistic3A_13 = arith.divf %logistic3A_11, %logistic3A_12 : vector<2000x128xf32>
    %mul3A = arith.mulf %add3A, %logistic3A_13 : vector<2000x128xf32>
    %get3A_14 = arith.constant 0 : index
    %get3A_15 = arith.constant 0 : index
    %get3A_16 = vector.load %arg2[%get3A_14, %get3A_15] : memref<2000x128xf32, #tpu.memory_space<vmem>>, vector<2000x128xf32>
    %get3A_17 = arith.constant 0 : index
    %get3A_18 = arith.constant 0 : index
    %get3A_19 = vector.load %arg3[%get3A_17, %get3A_18] : memref<128x128xf32, #tpu.memory_space<vmem>>, vector<128x128xf32>
    %dot_general3A = arith.constant dense<0.000000e+00> : vector<2000x128xf32>
    %dot_general3A_20 = tpu.matmul %mul3A, %get3A_19, %dot_general3A {dimension_numbers = #tpu.dot_dimension_numbers<[1], [0], [0], [1], [0, 0, 1, 1], [], []>, transpose_lhs_hint = false} : vector<2000x128xf32>, vector<128x128xf32>, vector<2000x128xf32> -> vector<2000x128xf32>
    %add3A_21 = arith.addf %get3A_16, %dot_general3A_20 : vector<2000x128xf32>
    %swap3A = arith.constant 0 : index
    %swap3A_22 = arith.constant 0 : index
    %swap3A_23 = vector.load %arg4[%swap3A, %swap3A_22] : memref<2000x128xf32, #tpu.memory_space<vmem>>, vector<2000x128xf32>
    tpu.vector_store %arg4[%swap3A, %swap3A_22], %add3A_21 {strides = array<i32>} : memref<2000x128xf32, #tpu.memory_space<vmem>>, vector<2000x128xf32>,
    return
  }
  func.func @transform_0(%arg0: i32) -> (i32, i32, i32) {
    %c0_i32 = arith.constant 0 : i32
    %c0_i32_0 = arith.constant 0 : i32
    %c0_i32_1 = arith.constant 0 : i32
    return %c0_i32, %arg0, %c0_i32_0 : i32, i32, i32
  }
  func.func @transform_1(%arg0: i32) -> (i32, i32) {
    %c0_i32 = arith.constant 0 : i32
    %c0_i32_0 = arith.constant 0 : i32
    return %arg0, %c0_i32 : i32, i32
  }
  func.func @transform_2(%arg0: i32) -> (i32, i32) {
    %c0_i32 = arith.constant 0 : i32
    %c0_i32_0 = arith.constant 0 : i32
    %c0_i32_1 = arith.constant 0 : i32
    return %c0_i32, %c0_i32_0 : i32, i32
  }
  func.func @transform_3(%arg0: i32) -> (i32, i32) {
    %c0_i32 = arith.constant 0 : i32
    %c0_i32_0 = arith.constant 0 : i32
    return %arg0, %c0_i32 : i32, i32
  }
}

</mosaic_0001>

<sc_bundles>
// kernel: kernel.6.cloned.1.call-start
scs
__scs_entry_jumppad:
0x0: {  	(pc) =	sbr.rel $0x88, $3  }
0x1: {  	(tag) =	ssettag $0x0;
	lr =	simm.s32 $0x1  }
0x2: {  	[smem:$0x3F97] =	sst lr;
	_ =	strace $0xD0000000  }
0x3: {  	_ = 	snop  }
0x4: {  	_ = 	snop  }
0x5: {  	_ = 	snop  }
0x6: {  	_ = 	snop  }
0x7: {  	_ = 	snop  }
__scs_overlays_trampoline_lowered:
0x8: {  	[smem:$0x3FA6] =	sst s0  }
0x9: {  	[smem:$0x3FA7] =	sst s1  }
0xa: {  	[smem:$0x3FA8] =	sst s2  }
0xb: {  	[smem:$0x3FA9] =	sst s3  }
0xc: {  	[smem:$0x3FAA] =	sst s4  }
0xd: {  	[smem:$0x3FAB] =	sst s5  }
0xe: {  	[smem:$0x3FAC] =	sst s6  }
0xf: {  	[smem:$0x3FAD] =	sst s7  }
0x10: {  	[smem:$0x3FAE] =	sst s8  }
0x11: {  	[smem:$0x3FAF] =	sst s9;
	s0 =	simm.s32 @!p0 $0x0  }
0x12: {  	s1 =	sld [smem:$0x3F95];
	s0 =	simm.s32 @p0 $0x1  }
0x13: {  	[smem:$0x3FB0] =	sst s0;
	s0 =	simm.s32 @!p1 $0x0  }
0x14: {  	s2 =	sld [smem:$0x3F94];
	s0 =	simm.s32 @p1 $0x1  }
0x15: {  	[smem:$0x3FB1] =	sst s0;
	s0 =	simm.s32 @!p2 $0x0  }
0x16: {  	s3 =	sld [smem:$0x3FDB];
	s0 =	simm.s32 @p2 $0x1  }
0x17: {  	s4 =	simm.s32 $0x1BF5;
	[smem:$0x3FB3] =	sst s0  }
0x18: {  	s0 =	sld [smem:$0x3F96];
	_ =	swait.ge [sflag:s4], $0x0  }
0x19: {  	s7 =	sld [smem:$0x3F97]  }
0x1a: {  	s8 =	sadd.s32 $0xFFFFE003, lr  }
0x1b: {  	s9 =	sadd.s32 $0xFFFFFEF7, lr;
	s5 =	simm.s32 $0xFFFFFFFF;
	p2 =	slt.u32 s8, $0xFFFFF086  }
0x1c: {  	p1 =	slt.u32 s9, $0xF7A;
	s5 =	simm.s32 @!p2 $0x0  }
0x1d: {  	s5 =	simm.s32 @p1 $0x1;
	p0 =	seq.s32 s7, s2  }
0x1e: {  	s7 =	smul.u32 @!p0 $0xF7A, s2;
	p2 =	seq.s32 @!p0 s5, $0x0  }
0x1f: {  	s9 =	smul.u32 $0xF7A, s1;
	s8 =	simm.s32 @!p0 $0x1BF5;
	p2 =	por !p2, p0  }
0x20: {  	[sflag:s8] =	ssyncset.s32 @!p0 $0xFFFFF086;
	s6 =	sadd.s32 @!p0 s3, s7;
	s7 =	simm.s32 @!p0 $0x108  }
0x21: {  	s3 =	sadd.s32 s3, s9;
	s6 =	sadd.s32 @!p0 $0x88, s6;
	s7 =	simm.s32 @p2 $0x1082  }
0x22: {  	[simem:s7], [sflag:s8] =	dma.local @!p0 [hbm:s6], $0xF7A  }
0x23: {  	s9 =	sor.u32 $0xD0000000, s2;
	s6 =	simm.s32 $0x108;
	_ =	swait.ge @!p0 [sflag:s8], $0x0  }
0x24: {  	s3 =	sadd.s32 $0x88, s3;
	s6 =	simm.s32 @!p1 $0x1082;
	[sflag:s4] =	ssyncset.s32 $0xFFFFF086  }
0x25: {  	[simem:s6], [sflag:s4] =	dma.local [hbm:s3], $0xF7A  }
0x26: {  	[smem:$0x3F97] =	sst s1;
	(tag) =	ssettag s2;
	_ =	strace s9  }
0x27: {  	s1 =	sld [smem:$0x3FA7]  }
0x28: {  	s2 =	sld [smem:$0x3FA8]  }
0x29: {  	s4 =	sld [smem:$0x3FAA]  }
0x2a: {  	p0 =	seq.s32 s5, $0x0;
	s5 =	sld [smem:$0x3FAB]  }
0x2b: {  	s6 =	sld [smem:$0x3FAC]  }
0x2c: {  	s7 =	sld [smem:$0x3FAD]  }
0x2d: {  	s3 =	simm.s32 $0x108;
	s8 =	sld [smem:$0x3FAE]  }
0x2e: {  	s3 =	simm.s32 @!p0 $0x1082;
	s9 =	sld [smem:$0x3FAF]  }
0x2f: {  	lr =	sadd.s32 s0, s3;
	s0 =	sld [smem:$0x3FA6]  }
0x30: {  	s3 =	sld [smem:$0x3FA9]  }
0x31: {  	[smem:$0x3FB2] =	sst s10  }
0x32: {  	s10 =	sld [smem:$0x3FB0];
	_ =	sdelay $0x3  }
0x33: {  	p0 =	seq.s32 s10, $0x1;
	s10 =	sld [smem:$0x3FB2];
	_ =	sdelay $0x3  }
0x34: {  	[smem:$0x3FB2] =	sst s10  }
0x35: {  	s10 =	sld [smem:$0x3FB1];
	_ =	sdelay $0x3  }
0x36: {  	p1 =	seq.s32 s10, $0x1;
	s10 =	sld [smem:$0x3FB2];
	_ =	sdelay $0x3  }
0x37: {  	[smem:$0x3FB2] =	sst s10  }
0x38: {  	s10 =	sld [smem:$0x3FB3]  }
0x39: {  	_ = 	snop;
	(pc) =	sbr.ind lr, $3  }
0x3a: {  	_ = 	snop  }
0x3b: {  	_ = 	snop  }
0x3c: {  	p2 =	seq.s32 s10, $0x1;
	s10 =	sld [smem:$0x3FB2]  }
0x3d: {  	_ =	shalt  }
0x3e: {  	_ =	shalt  }
0x3f: {  	_ =	shalt  }
0x40: {  	_ =	shalt  }
0x41: {  	_ =	shalt  }
0x42: {  	_ =	shalt  }
0x43: {  	_ =	shalt  }
0x44: {  	_ =	shalt  }
0x45: {  	_ =	shalt  }
0x46: {  	_ =	shalt  }
0x47: {  	_ =	shalt  }
0x48: {  	_ =	shalt  }
0x49: {  	_ =	shalt  }
0x4a: {  	_ =	shalt  }
0x4b: {  	_ =	shalt  }
0x4c: {  	_ =	shalt  }
0x4d: {  	_ =	shalt  }
0x4e: {  	_ =	shalt  }
0x4f: {  	_ =	shalt  }
0x50: {  	_ =	shalt  }
0x51: {  	_ =	shalt  }
0x52: {  	_ =	shalt  }
0x53: {  	_ =	shalt  }
0x54: {  	_ =	shalt  }
0x55: {  	_ =	shalt  }
0x56: {  	_ =	shalt  }
0x57: {  	_ =	shalt  }
0x58: {  	_ =	shalt  }
0x59: {  	_ =	shalt  }
0x5a: {  	_ =	shalt  }
0x5b: {  	_ =	shalt  }
0x5c: {  	_ =	shalt  }
0x5d: {  	_ =	shalt  }
0x5e: {  	_ =	shalt  }
0x5f: {  	_ =	shalt  }
0x60: {  	_ =	shalt  }
0x61: {  	_ =	shalt  }
0x62: {  	_ =	shalt  }
0x63: {  	_ =	shalt  }
0x64: {  	_ =	shalt  }
0x65: {  	_ =	shalt  }
0x66: {  	_ =	shalt  }
0x67: {  	_ =	shalt  }
0x68: {  	_ =	shalt  }
0x69: {  	_ =	shalt  }
0x6a: {  	_ =	shalt  }
0x6b: {  	_ =	shalt  }
0x6c: {  	_ =	shalt  }
0x6d: {  	_ =	shalt  }
0x6e: {  	_ =	shalt  }
0x6f: {  	_ =	shalt  }
0x70: {  	_ =	shalt  }
0x71: {  	_ =	shalt  }
0x72: {  	_ =	shalt  }
0x73: {  	_ =	shalt  }
0x74: {  	_ =	shalt  }
0x75: {  	_ =	shalt  }
0x76: {  	_ =	shalt  }
0x77: {  	_ =	shalt  }
0x78: {  	_ =	shalt  }
0x79: {  	_ =	shalt  }
0x7a: {  	_ =	shalt  }
0x7b: {  	_ =	shalt  }
0x7c: {  	_ =	shalt  }
0x7d: {  	_ =	shalt  }
0x7e: {  	_ =	shalt  }
0x7f: {  	_ =	shalt  }
0x80: {  	_ =	shalt  }
0x81: {  	_ =	shalt  }
0x82: {  	_ =	shalt  }
0x83: {  	_ =	shalt  }
0x84: {  	_ =	shalt  }
0x85: {  	_ =	shalt  }
0x86: {  	_ =	shalt  }
0x87: {  	_ =	shalt  }
.Lfunc_end0:
.L_simem_size_0:
called_computation_lowered:
.L_overlay_start_0:
0x88: {  	s2 =	sld [smem:$0x3FD9]  }
0x89: {  	s3 =	sld [smem:$0x3FFE];
	_ =	sdelay $0x1  }
0x8a: {  	s1 =	srdreg.scid  }
0x8b: {  	s0 =	sand.u32 $0x1, s1  }
0x8c: {  	s17 =	sshll.u32 s0, $0xA;
	s2 =	sadd.s32 s3, s2  }
0x8d: {  	s2 =	sadd.s32 s2, s17  }
0x8e: {  	[smem:$0x3FBE] =	sst s2  }
0x8f: {  	_ = 	snop  }
0x90: {  	s2 =	sld [smem:$0x3FD0];
	(tm) =	ssettm $0x1  }
0x91: {  	s18 =	sld [smem:$0x3FFB];
	_ =	sdelay $0x3  }
0x92: {  	_ =	strace s18  }
0x93: {  	s3 =	sld [smem:$0x3FFC];
	_ =	sdelay $0x3  }
0x94: {  	_ =	strace s3  }
0x95: {  	s3 =	sld [smem:$0x3FFD];
	_ =	sdelay $0x3  }
0x96: {  	_ =	strace s3  }
0x97: {  	_ =	strace $0x8FFFFFFF  }
0x98: {  	s19 =	sld [smem:$0x3FDB];
	_ =	sdelay $0x1  }
0x99: {  	s4 =	simm.s32 $_scs_section_size  }
0x9a: {  	s5 =	simm.s32 $_size__tile_overlayer_lowered;
	s6 =	simm.s32 $_tile_overlayer_lowered  }
0x9b: {  	s22 =	simm.s32 $0x1BFF;
	s21 =	sshll.u32 s6, $0x1;
	s3 =	sadd.s32 s4, s19  }
0x9c: {  	s7 =	simm.s32 $0x0;
	s20 =	sshll.u32 s5, $0x1;
	s5 =	sadd.s32 s21, s3  }
0x9d: {  	[timem:s7], [sflag:s22] =	dma.local [hbm:s5], s20  }
0x9e: {  	_ =	swait.ge [sflag:s22], s20  }
0x9f: {  	s4 =	ssub.s32 $0x0, s20;
	[sflag:s22] =	ssyncset.done $0x0  }
0xa0: {  	[sflag:s22] =	ssyncadd.s32 s4;
	_ =	sdelay $0x1  }
0xa1: {  	s23 =	simm.s32 $0x1B8B  }
0xa2: {  	_ =	swait.ge [sflag:s23], $0x1  }
0xa3: {  	[sflag:s23] =	ssyncset.done $0x0  }
0xa4: {  	s25 =	simm.s32 $0x1B8E;
	s24 =	sld [smem:$0x3FFE];
	[sflag:s23] =	ssyncadd.s32 $0xFFFFFFFF  }
0xa5: {  	s26 =	simm.s32 $execute0_lowered;
	[smem:$0x3FD2] =	sst s25  }
0xa6: {  	s5 =	sshll.u32 s26, $0x1;
	_ =	strace $0x80000046;
	[dreg:$0x1] =	wrdreg $0xFFFFFFFF  }
0xa7: {  	s28 =	simm.s32 $_size_execute0_lowered;
	s3 =	sadd.s32 s3, s5;
	[dreg:$0x0] =	wrdreg $0x0  }
0xa8: {  	s5 =	sshll.u32 s28, $0x1;
	[dreg:$0x2] =	wrdreg s3  }
0xa9: {  	[dreg:$0x3] =	wrdreg s5  }
0xaa: {  	[dreg:$0x4] =	wrdreg $0xC0  }
0xab: {  	_ =	task [dreg:s7], $0x5FFFF  }
0xac: {  	[dreg:$0x1] =	wrdreg $0xFFFFFFFF  }
0xad: {  	[dreg:$0x0] =	wrdreg $0x60  }
0xae: {  	[dreg:$0x2] =	wrdreg s2  }
0xaf: {  	[dreg:$0x3] =	wrdreg s24  }
0xb0: {  	[dreg:$0x4] =	wrdreg $0xB8000  }
0xb1: {  	[dreg:$0x5] =	wrdreg $0x9  }
0xb2: {  	_ =	task.clear_ibuf [dreg:s7], $0x6FFFF;
	_ =	strace $0x90000046  }
0xb3: {  	s29 =	simm.s32 $0x9;
	_ =	strace $0x80000048  }
0xb4: {  	_ =	swait.ge [sflag:s29], $0x1  }
0xb5: {  	[sflag:s29] =	ssyncadd.s32 $0xFFFFFFFF  }
0xb6: {  	_ =	strace $0x90000048  }
0xb7: {  	_ =	sfence  }
0xb8: {  	s30 =	sld [smem:$0x0];
	_ =	sdelay $0x2  }
0xb9: {  	s31 =	sshll.u32 s1, $0xD;
	s1 =	sshrl.u32 s1, $0x2  }
0xba: {  	s3 =	sand.u32 $0x4000, s31;
	s1 =	sadd.s32 s1, s30  }
0xbb: {  	s0 =	sor.u32 s3, s0;
	s1 =	sshll.u32 s1, $0x11  }
0xbc: {  	s0 =	sor.u32 s1, s0  }
0xbd: {  	s0 =	sadd.s32 $0x8F2B, s0  }
0xbe: {  	[sflag:s0] =	ssyncadd.remote.s32 $0x1  }
0xbf: {  	_ =	sfence.sel $0xFFFF  }
0xc0: {  	[dreg:$0x0] =	wrdreg $0xFFFFFFFF;
	(pc) =	sbr.abs _section_cstart, $3  }
0xc1: {  	[dreg:$0x1] =	wrdreg $0xFFFFFFFF  }
0xc2: {  	_ =	task.clear_ibuf [dreg:s7], $0x2FFFF;
	_ =	strace $0x9FFFFFFF  }
0xc3: {  	(tm) =	ssettm $0x7FFFFFFF  }
tec
execute0_lowered:
.L_overlay_start_1:
0x0: {  	(tag) =	ssettag $0x1  }
0x1: {  	s1 =	rddreg [dreg:$0x0]  }
0x2: {  	s0 =	rddreg [dreg:$0x1]  }
0x3: {  	s3 =	rddreg [dreg:$0x2];
	s20 =	simm.s32 $0x0;
	s12 =	stileid.u32  }
0x4: {  	s2 =	srdreg.scid;
	s15 =	simm.s32 $0x4;
	s16 =	simm.s32 $0x400  }
0x5: {  	s17 =	simm.s32 $0x58;
	s18 =	simm.s32 $0x800;
	s19 =	simm.s32 $0x6000  }
0x6: {  	s21 =	simm.s32 $0x3400;
	s22 =	simm.s32 $0x8C00;
	s23 =	simm.s32 $0x1  }
0x7: {  	s31 =	simm.s32 $0x200;
	s13 =	simm.s32 $0x680;
	s14 =	simm.s32 $0x700  }
0x8: {  	[smem:$0x7FF] =	sst s20;
	s4 =	smul.u32 $0x13C00, s12;
	s5 =	sadd.s32 $0xA29A00, s0  }
0x9: {  	s2 =	sand.u32 $0x1, s2;
	s6 =	sadd.s32 $0x4E3A00, s0;
	s7 =	sadd.s32 $0x4F2A00, s0  }
0xa: {  	s10 =	smul.u32 $0x4F000, s12;
	s11 =	sshll.u32 s12, $0x1;
	s28 =	sshll.u32 s12, $0x6  }
0xb: {  	s12 =	simm.s32 $0x300;
	_ =	strace $0x80000047;
	s8 =	smul.u32 $0x13C000, s2  }
0xc: {  	s24 =	ssub.s32 $0x2, s2;
	s2 =	sor.u32 s2, s11;
	s9 =	sshrl.u32 s4, $0x3  }
0xd: {  	s25 =	sshrl.u32 s24, $0x1;
	s26 =	sshrl.u32 s10, $0x2;
	s11 =	smul.u32 $0xF, s2  }
0xe: {  	s9 =	sadd.s32 s9, s0;
	s4 =	sadd.s32 s4, s8;
	s10 =	sadd.s32 s26, s3  }
0xf: {  	s8 =	smul.u32 $0x3C00, s2;
	s26 =	sor.u32 $0x1C04, s28;
	s2 =	simm.s32 $0x280  }
0x10: {  	s4 =	sshrl.u32 s4, $0x3;
	s9 =	sadd.s32 $0x1A00, s9;
	s29 =	sshrl.u32 s10, $0x3  }
0x11: {  	s10 =	simm.s32 $0x380;
	[dreg:$0x6] =	wrdreg s26;
	s0 =	sadd.s32 s4, s0  }
0x12: {  	s4 =	ssub.s32 s24, s25;
	[dreg:$0x5] =	wrdreg s9;
	s24 =	simm.s32 $0x2  }
0x13: {  	s25 =	simm.s32 $0x3;
	[dreg:$0x9] =	wrdreg s29;
	s0 =	sadd.s32 $0x29200, s0  }
0x14: {  	s9 =	simm.s32 $0x600;
	s30 =	smax.u32 s4, $0x1;
	[dreg:$0x7] =	wrdreg s0  }
0x15: {  	s4 =	simm.s32 $0x780;
	[dreg:$0x8] =	wrdreg s30;
	s0 =	simm.s32 $0x580  }
.LBB2_1:
0x16: {  	[dreg:$0x4] =	wrdreg s20  }
0x17: {  	s30 =	rddreg [dreg:$0x5]  }
0x18: {  	[spmem:s29], [sflag:s26] =	dma.local [hbm:s30], $0x2780  }
0x19: {  	_ =	swait.ge [sflag:s15], $0x2780  }
0x1a: {  	[sflag:s15] =	ssyncset.done $0x0  }
0x1b: {  	[sflag:s15] =	ssyncadd.s32 $0xFFFFD880  }
0x1c: {  	s20 =	simm.s32 $0x0;
	[bflag:$0x0] =	sbarrier.arrive $0xFFFF  }
.LBB2_2:
0x1d: {  	s26 =	sshll.u32 s20, $0xA  }
0x1e: {  	s26 =	sadd.s32 s8, s26  }
0x1f: {  	s26 =	sshrl.u32 s26, $0x3  }
0x20: {  	s29 =	simm.s32 $0x0;
	s28 =	sadd.s32 s6, s26  }
0x21: {  	[tilespmem:s29], [sflag:$0x4] =	stream.linear.gather [hbm4b:s28+s29], $0x400, $0x38;
	[tilespmem:$0x1F400] =	vst v63  }
0x22: {  	_ =	swait.ge [sflag:s15], $0x400  }
0x23: {  	[sflag:s15] =	ssyncset.done $0x0  }
0x24: {  	s26 =	sadd.s32 s7, s26;
	[sflag:s15] =	ssyncadd.s32 $0xFFFFFC00  }
0x25: {  	[tilespmem:s16], [sflag:$0x4] =	stream.linear.gather [hbm4b:s26+s29], $0x400, $0x38;
	[tilespmem:$0x1F400] =	vst v63  }
0x26: {  	s30 =	sadd.s32 s11, s20;
	_ =	swait.ge [sflag:s15], $0x400  }
0x27: {  	s28 =	smul.u32 $0x2C00, s30;
	[sflag:s15] =	ssyncset.done $0x0  }
0x28: {  	s26 =	smul.u32 $0x16000, s30;
	[sflag:s15] =	ssyncadd.s32 $0xFFFFFC00  }
0x29: {  	[tilespmem:s18], [sflag:$0x1] =	stream.indirect.gather [hbm4b:s1+s17], $0x80, s29, s17, $0xb8;
	[tilespmem:$0x1F400] =	vst v63  }
0x2a: {  	s28 =	sadd.s32 s5, s28;
	s26 =	sshrl.u32 s26, $0x3  }
0x2b: {  	[tilespmem:s19], [sflag:$0x2] =	stream.linear.gather [hbm4b:s28+s29], $0x2C00, $0x38;
	[tilespmem:$0x1F400] =	vst v63  }
0x2c: {  	s26 =	sadd.s32 s5, s26;
	s28 =	simm.s32 $0x80  }
0x2d: {  	[tilespmem:s21], [sflag:$0x1] =	stream.indirect.gather [hbm4b:s1+s17], $0x80, s28, s17, $0xb8;
	[tilespmem:$0x1F400] =	vst v63  }
0x2e: {  	s28 =	sadd.s32 $0x580, s26  }
0x2f: {  	[tilespmem:s22], [sflag:$0x2] =	stream.linear.gather [hbm4b:s28+s29], $0x2C00, $0x38;
	[tilespmem:$0x1F400] =	vst v63  }
0x30: {  	_ =	swait.ge [sflag:s23], $0x2C00  }
0x31: {  	[sflag:s23] =	ssyncset.done $0x0  }
0x32: {  	[sflag:s23] =	ssyncadd.s32 $0xFFFFD400  }
0x33: {  	_ =	swait.ge [sflag:s24], $0x2C00  }
0x34: {  	[sflag:s24] =	ssyncset.done $0x0  }
0x35: {  	s28 =	simm.s32 $0x0;
	[sflag:s24] =	ssyncadd.s32 $0xFFFFD400  }
0x36: {  	v7 =	vld [tilespmem:s28+$0x6000]  }
0x37: {  	v11 =	vld [tilespmem:s28+$0x6010]  }
0x38: {  	v5 =	vld [tilespmem:s28+$0x6020]  }
0x39: {  	v4 =	vld [tilespmem:s28+$0x6030]  }
0x3a: {  	v3 =	vld [tilespmem:s28+$0x6040]  }
0x3b: {  	v2 =	vld [tilespmem:s28+$0x6050]  }
0x3c: {  	v1 =	vld [tilespmem:s28+$0x6060]  }
0x3d: {  	v0 =	vld [tilespmem:s28+$0x6070]  }
0x3e: {  	v12 =	vld [tilespmem:s28+$0x800]  }
0x3f: {  	v13 =	vld [tilespmem:s28+$0x810]  }
0x40: {  	v10 =	vld [tilespmem:s28+$0x820]  }
0x41: {  	v9 =	vld [tilespmem:s28+$0x830]  }
0x42: {  	v8 =	vld [tilespmem:s28+$0x840]  }
0x43: {  	v6 =	vld [tilespmem:s28+$0x850];
	v12 =	vmul.f32 v7, v12  }
0x44: {  	s29 =	simm.s32 $0x200;
	v11 =	vmul.f32 v11, v13;
	v7 =	vld [tilespmem:s28+$0x860]  }
.LBB2_3:
0x45: {  	s30 =	sshra.s32 s29, $0x2;
	p0 =	sne.s32 s29, $0xAE00;
	[tilespmem:s28+$0x800] =	vst v12;
	v5 =	vmul.f32 v5, v10;
	v10 =	vld [tilespmem:s28+$0x870]  }
0x46: {  	v12 =	vld [tilespmem:s30+$0x6000];
	[tilespmem:s28+$0x810] =	vst v11;
	v4 =	vmul.f32 v4, v9  }
0x47: {  	v11 =	vld [tilespmem:s30+$0x6010];
	[tilespmem:s28+$0x820] =	vst v5;
	v3 =	vmul.f32 v3, v8  }
0x48: {  	v5 =	vld [tilespmem:s30+$0x6020];
	[tilespmem:s28+$0x830] =	vst v4;
	v2 =	vmul.f32 v2, v6  }
0x49: {  	v4 =	vld [tilespmem:s30+$0x6030];
	[tilespmem:s28+$0x840] =	vst v3;
	v1 =	vmul.f32 v1, v7  }
0x4a: {  	v3 =	vld [tilespmem:s30+$0x6040];
	[tilespmem:s28+$0x850] =	vst v2;
	v0 =	vmul.f32 v0, v10  }
0x4b: {  	v2 =	vld [tilespmem:s30+$0x6050];
	[tilespmem:s28+$0x860] =	vst v1  }
0x4c: {  	v1 =	vld [tilespmem:s30+$0x6060];
	[tilespmem:s28+$0x870] =	vst v0;
	s28 =	smov.u32 s30  }
0x4d: {  	v0 =	vld [tilespmem:s28+$0x6070]  }
0x4e: {  	v6 =	vld [tilespmem:s28+$0x800]  }
0x4f: {  	v7 =	vld [tilespmem:s28+$0x810]  }
.Ltmp0:
0x50: {  	v10 =	vld [tilespmem:s28+$0x820];
	(pc) =	sbr.rel @p0 .LBB2_3-.Ltmp0, $4  }
0x51: {  	v9 =	vld [tilespmem:s28+$0x830]  }
0x52: {  	v8 =	vld [tilespmem:s28+$0x840]  }
0x53: {  	v12 =	vmul.f32 v12, v6;
	v6 =	vld [tilespmem:s28+$0x850]  }
0x54: {  	s29 =	sadd.s32 $0x200, s29;
	v11 =	vmul.f32 v11, v7;
	v7 =	vld [tilespmem:s28+$0x860]  }
0x55: {  	[tilespmem:s28+$0x800] =	vst v12;
	v5 =	vmul.f32 v5, v10;
	v10 =	vld [tilespmem:s28+$0x870]  }
0x56: {  	[tilespmem:s28+$0x810] =	vst v11;
	v4 =	vmul.f32 v4, v9  }
0x57: {  	[tilespmem:s28+$0x820] =	vst v5;
	v3 =	vmul.f32 v3, v8  }
0x58: {  	[tilespmem:s28+$0x830] =	vst v4;
	v2 =	vmul.f32 v2, v6  }
0x59: {  	[tilespmem:s28+$0x840] =	vst v3;
	v1 =	vmul.f32 v1, v7  }
0x5a: {  	[tilespmem:s28+$0x850] =	vst v2;
	v0 =	vmul.f32 v0, v10  }
0x5b: {  	[tilespmem:s28+$0x860] =	vst v1  }
0x5c: {  	[tilespmem:s28+$0x870] =	vst v0  }
0x5d: {  	[spmem:s3] =	stream.indirect.scatter.add.f32 [tilespmem:s18], [sflag:$0x3], $0x80, s16, s17, $0xb8;
	[tilespmem:$0x1F400] =	vst v63  }
0x5e: {  	_ =	swait.ge [sflag:s25], $0x580  }
0x5f: {  	[sflag:s25] =	ssyncset.done $0x0  }
0x60: {  	s28 =	simm.s32 $0x100;
	[sflag:s25] =	ssyncadd.s32 $0xFFFFFA80  }
0x61: {  	[tilespmem:s18], [sflag:$0x1] =	stream.indirect.gather [hbm4b:s1+s17], $0x80, s28, s17, $0xb8;
	[tilespmem:$0x1F400] =	vst v63  }
0x62: {  	s29 =	simm.s32 $0x0;
	s28 =	sadd.s32 $0xB00, s26  }
0x63: {  	[tilespmem:s19], [sflag:$0x2] =	stream.linear.gather [hbm4b:s28+s29], $0x2C00, $0x38;
	[tilespmem:$0x1F400] =	vst v63  }
0x64: {  	_ =	swait.ge [sflag:s23], $0x2C00  }
0x65: {  	[sflag:s23] =	ssyncset.done $0x0  }
0x66: {  	[sflag:s23] =	ssyncadd.s32 $0xFFFFD400  }
0x67: {  	_ =	swait.ge [sflag:s24], $0x2C00  }
0x68: {  	[sflag:s24] =	ssyncset.done $0x0  }
0x69: {  	s28 =	simm.s32 $0x0;
	[sflag:s24] =	ssyncadd.s32 $0xFFFFD400  }
0x6a: {  	v7 =	vld [tilespmem:s28+$0x8C00]  }
0x6b: {  	v11 =	vld [tilespmem:s28+$0x8C10]  }
0x6c: {  	v5 =	vld [tilespmem:s28+$0x8C20]  }
0x6d: {  	v4 =	vld [tilespmem:s28+$0x8C30]  }
0x6e: {  	v3 =	vld [tilespmem:s28+$0x8C40]  }
0x6f: {  	v2 =	vld [tilespmem:s28+$0x8C50]  }
0x70: {  	v1 =	vld [tilespmem:s28+$0x8C60]  }
0x71: {  	v0 =	vld [tilespmem:s28+$0x8C70]  }
0x72: {  	v12 =	vld [tilespmem:s28+$0x3400]  }
0x73: {  	v13 =	vld [tilespmem:s28+$0x3410]  }
0x74: {  	v10 =	vld [tilespmem:s28+$0x3420]  }
0x75: {  	v9 =	vld [tilespmem:s28+$0x3430]  }
0x76: {  	v8 =	vld [tilespmem:s28+$0x3440]  }
0x77: {  	v6 =	vld [tilespmem:s28+$0x3450];
	v12 =	vmul.f32 v7, v12  }
0x78: {  	s29 =	simm.s32 $0x200;
	v11 =	vmul.f32 v11, v13;
	v7 =	vld [tilespmem:s28+$0x3460]  }
.LBB2_5:
0x79: {  	s30 =	sshra.s32 s29, $0x2;
	p0 =	sne.s32 s29, $0xAE00;
	[tilespmem:s28+$0x3400] =	vst v12;
	v5 =	vmul.f32 v5, v10;
	v10 =	vld [tilespmem:s28+$0x3470]  }
0x7a: {  	v12 =	vld [tilespmem:s30+$0x8C00];
	[tilespmem:s28+$0x3410] =	vst v11;
	v4 =	vmul.f32 v4, v9  }
0x7b: {  	v11 =	vld [tilespmem:s30+$0x8C10];
	[tilespmem:s28+$0x3420] =	vst v5;
	v3 =	vmul.f32 v3, v8  }
0x7c: {  	v5 =	vld [tilespmem:s30+$0x8C20];
	[tilespmem:s28+$0x3430] =	vst v4;
	v2 =	vmul.f32 v2, v6  }
0x7d: {  	v4 =	vld [tilespmem:s30+$0x8C30];
	[tilespmem:s28+$0x3440] =	vst v3;
	v1 =	vmul.f32 v1, v7  }
0x7e: {  	v3 =	vld [tilespmem:s30+$0x8C40];
	[tilespmem:s28+$0x3450] =	vst v2;
	v0 =	vmul.f32 v0, v10  }
0x7f: {  	v2 =	vld [tilespmem:s30+$0x8C50];
	[tilespmem:s28+$0x3460] =	vst v1  }
0x80: {  	v1 =	vld [tilespmem:s30+$0x8C60];
	[tilespmem:s28+$0x3470] =	vst v0;
	s28 =	smov.u32 s30  }
0x81: {  	v0 =	vld [tilespmem:s28+$0x8C70]  }
0x82: {  	v6 =	vld [tilespmem:s28+$0x3400]  }
0x83: {  	v7 =	vld [tilespmem:s28+$0x3410]  }
.Ltmp1:
0x84: {  	v10 =	vld [tilespmem:s28+$0x3420];
	(pc) =	sbr.rel @p0 .LBB2_5-.Ltmp1, $4  }
0x85: {  	v9 =	vld [tilespmem:s28+$0x3430]  }
0x86: {  	v8 =	vld [tilespmem:s28+$0x3440]  }
0x87: {  	v12 =	vmul.f32 v12, v6;
	v6 =	vld [tilespmem:s28+$0x3450]  }
0x88: {  	s29 =	sadd.s32 $0x200, s29;
	v11 =	vmul.f32 v11, v7;
	v7 =	vld [tilespmem:s28+$0x3460]  }
0x89: {  	[tilespmem:s28+$0x3400] =	vst v12;
	v5 =	vmul.f32 v5, v10;
	v10 =	vld [tilespmem:s28+$0x3470]  }
0x8a: {  	[tilespmem:s28+$0x3410] =	vst v11;
	v4 =	vmul.f32 v4, v9  }
0x8b: {  	[tilespmem:s28+$0x3420] =	vst v5;
	v3 =	vmul.f32 v3, v8  }
0x8c: {  	[tilespmem:s28+$0x3430] =	vst v4;
	v2 =	vmul.f32 v2, v6  }
0x8d: {  	[tilespmem:s28+$0x3440] =	vst v3;
	v1 =	vmul.f32 v1, v7  }
0x8e: {  	[tilespmem:s28+$0x3450] =	vst v2;
	v0 =	vmul.f32 v0, v10  }
0x8f: {  	[tilespmem:s28+$0x3460] =	vst v1  }
0x90: {  	[tilespmem:s28+$0x3470] =	vst v0;
	s28 =	simm.s32 $0x480  }
0x91: {  	[spmem:s3] =	stream.indirect.scatter.add.f32 [tilespmem:s21], [sflag:$0x3], $0x80, s28, s17, $0xb8;
	[tilespmem:$0x1F400] =	vst v63  }
0x92: {  	_ =	swait.ge [sflag:s25], $0x580  }
0x93: {  	[sflag:s25] =	ssyncset.done $0x0  }
0x94: {  	s28 =	simm.s32 $0x180;
	[sflag:s25] =	ssyncadd.s32 $0xFFFFFA80  }
0x95: {  	[tilespmem:s21], [sflag:$0x1] =	stream.indirect.gather [hbm4b:s1+s17], $0x80, s28, s17, $0xb8;
	[tilespmem:$0x1F400] =	vst v63  }
0x96: {  	s29 =	simm.s32 $0x0;
	s28 =	sadd.s32 $0x1080, s26  }
0x97: {  	[tilespmem:s22], [sflag:$0x2] =	stream.linear.gather [hbm4b:s28+s29], $0x2C00, $0x38;
	[tilespmem:$0x1F400] =	vst v63  }
0x98: {  	_ =	swait.ge [sflag:s23], $0x2C00  }
0x99: {  	[sflag:s23] =	ssyncset.done $0x0  }
0x9a: {  	[sflag:s23] =	ssyncadd.s32 $0xFFFFD400  }
0x9b: {  	_ =	swait.ge [sflag:s24], $0x2C00  }
0x9c: {  	[sflag:s24] =	ssyncset.done $0x0  }
0x9d: {  	s28 =	simm.s32 $0x0;
	[sflag:s24] =	ssyncadd.s32 $0xFFFFD400  }
0x9e: {  	v7 =	vld [tilespmem:s28+$0x6000]  }
0x9f: {  	v11 =	vld [tilespmem:s28+$0x6010]  }
0xa0: {  	v5 =	vld [tilespmem:s28+$0x6020]  }
0xa1: {  	v4 =	vld [tilespmem:s28+$0x6030]  }
0xa2: {  	v3 =	vld [tilespmem:s28+$0x6040]  }
0xa3: {  	v2 =	vld [tilespmem:s28+$0x6050]  }
0xa4: {  	v1 =	vld [tilespmem:s28+$0x6060]  }
0xa5: {  	v0 =	vld [tilespmem:s28+$0x6070]  }
0xa6: {  	v12 =	vld [tilespmem:s28+$0x800]  }
0xa7: {  	v13 =	vld [tilespmem:s28+$0x810]  }
0xa8: {  	v10 =	vld [tilespmem:s28+$0x820]  }
0xa9: {  	v9 =	vld [tilespmem:s28+$0x830]  }
0xaa: {  	v8 =	vld [tilespmem:s28+$0x840]  }
0xab: {  	v6 =	vld [tilespmem:s28+$0x850];
	v12 =	vmul.f32 v7, v12  }
0xac: {  	s29 =	simm.s32 $0x200;
	v11 =	vmul.f32 v11, v13;
	v7 =	vld [tilespmem:s28+$0x860]  }
.LBB2_7:
0xad: {  	s30 =	sshra.s32 s29, $0x2;
	p0 =	sne.s32 s29, $0xAE00;
	[tilespmem:s28+$0x800] =	vst v12;
	v5 =	vmul.f32 v5, v10;
	v10 =	vld [tilespmem:s28+$0x870]  }
0xae: {  	v12 =	vld [tilespmem:s30+$0x6000];
	[tilespmem:s28+$0x810] =	vst v11;
	v4 =	vmul.f32 v4, v9  }
0xaf: {  	v11 =	vld [tilespmem:s30+$0x6010];
	[tilespmem:s28+$0x820] =	vst v5;
	v3 =	vmul.f32 v3, v8  }
0xb0: {  	v5 =	vld [tilespmem:s30+$0x6020];
	[tilespmem:s28+$0x830] =	vst v4;
	v2 =	vmul.f32 v2, v6  }
0xb1: {  	v4 =	vld [tilespmem:s30+$0x6030];
	[tilespmem:s28+$0x840] =	vst v3;
	v1 =	vmul.f32 v1, v7  }
0xb2: {  	v3 =	vld [tilespmem:s30+$0x6040];
	[tilespmem:s28+$0x850] =	vst v2;
	v0 =	vmul.f32 v0, v10  }
0xb3: {  	v2 =	vld [tilespmem:s30+$0x6050];
	[tilespmem:s28+$0x860] =	vst v1  }
0xb4: {  	v1 =	vld [tilespmem:s30+$0x6060];
	[tilespmem:s28+$0x870] =	vst v0;
	s28 =	smov.u32 s30  }
0xb5: {  	v0 =	vld [tilespmem:s28+$0x6070]  }
0xb6: {  	v6 =	vld [tilespmem:s28+$0x800]  }
0xb7: {  	v7 =	vld [tilespmem:s28+$0x810]  }
.Ltmp2:
0xb8: {  	v10 =	vld [tilespmem:s28+$0x820];
	(pc) =	sbr.rel @p0 .LBB2_7-.Ltmp2, $4  }
0xb9: {  	v9 =	vld [tilespmem:s28+$0x830]  }
0xba: {  	v8 =	vld [tilespmem:s28+$0x840]  }
0xbb: {  	v12 =	vmul.f32 v12, v6;
	v6 =	vld [tilespmem:s28+$0x850]  }
0xbc: {  	s29 =	sadd.s32 $0x200, s29;
	v11 =	vmul.f32 v11, v7;
	v7 =	vld [tilespmem:s28+$0x860]  }
0xbd: {  	[tilespmem:s28+$0x800] =	vst v12;
	v5 =	vmul.f32 v5, v10;
	v10 =	vld [tilespmem:s28+$0x870]  }
0xbe: {  	[tilespmem:s28+$0x810] =	vst v11;
	v4 =	vmul.f32 v4, v9  }
0xbf: {  	[tilespmem:s28+$0x820] =	vst v5;
	v3 =	vmul.f32 v3, v8  }
0xc0: {  	[tilespmem:s28+$0x830] =	vst v4;
	v2 =	vmul.f32 v2, v6  }
0xc1: {  	[tilespmem:s28+$0x840] =	vst v3;
	v1 =	vmul.f32 v1, v7  }
0xc2: {  	[tilespmem:s28+$0x850] =	vst v2;
	v0 =	vmul.f32 v0, v10  }
0xc3: {  	[tilespmem:s28+$0x860] =	vst v1  }
0xc4: {  	[tilespmem:s28+$0x870] =	vst v0;
	s28 =	simm.s32 $0x500  }
0xc5: {  	[spmem:s3] =	stream.indirect.scatter.add.f32 [tilespmem:s18], [sflag:$0x3], $0x80, s28, s17, $0xb8;
	[tilespmem:$0x1F400] =	vst v63  }
0xc6: {  	_ =	swait.ge [sflag:s25], $0x580  }
0xc7: {  	[sflag:s25] =	ssyncset.done $0x0  }
0xc8: {  	[sflag:s25] =	ssyncadd.s32 $0xFFFFFA80  }
0xc9: {  	[tilespmem:s18], [sflag:$0x1] =	stream.indirect.gather [hbm4b:s1+s17], $0x80, s31, s17, $0xb8;
	[tilespmem:$0x1F400] =	vst v63  }
0xca: {  	s29 =	simm.s32 $0x0;
	s28 =	sadd.s32 $0x1600, s26  }
0xcb: {  	[tilespmem:s19], [sflag:$0x2] =	stream.linear.gather [hbm4b:s28+s29], $0x2C00, $0x38;
	[tilespmem:$0x1F400] =	vst v63  }
0xcc: {  	_ =	swait.ge [sflag:s23], $0x2C00  }
0xcd: {  	[sflag:s23] =	ssyncset.done $0x0  }
0xce: {  	[sflag:s23] =	ssyncadd.s32 $0xFFFFD400  }
0xcf: {  	_ =	swait.ge [sflag:s24], $0x2C00  }
0xd0: {  	[sflag:s24] =	ssyncset.done $0x0  }
0xd1: {  	s28 =	simm.s32 $0x0;
	[sflag:s24] =	ssyncadd.s32 $0xFFFFD400  }
0xd2: {  	v7 =	vld [tilespmem:s28+$0x8C00]  }
0xd3: {  	v11 =	vld [tilespmem:s28+$0x8C10]  }
0xd4: {  	v5 =	vld [tilespmem:s28+$0x8C20]  }
0xd5: {  	v4 =	vld [tilespmem:s28+$0x8C30]  }
0xd6: {  	v3 =	vld [tilespmem:s28+$0x8C40]  }
0xd7: {  	v2 =	vld [tilespmem:s28+$0x8C50]  }
0xd8: {  	v1 =	vld [tilespmem:s28+$0x8C60]  }
0xd9: {  	v0 =	vld [tilespmem:s28+$0x8C70]  }
0xda: {  	v12 =	vld [tilespmem:s28+$0x3400]  }
0xdb: {  	v13 =	vld [tilespmem:s28+$0x3410]  }
0xdc: {  	v10 =	vld [tilespmem:s28+$0x3420]  }
0xdd: {  	v9 =	vld [tilespmem:s28+$0x3430]  }
0xde: {  	v8 =	vld [tilespmem:s28+$0x3440]  }
0xdf: {  	v6 =	vld [tilespmem:s28+$0x3450];
	v12 =	vmul.f32 v7, v12  }
0xe0: {  	s29 =	simm.s32 $0x200;
	v11 =	vmul.f32 v11, v13;
	v7 =	vld [tilespmem:s28+$0x3460]  }
.LBB2_9:
0xe1: {  	s30 =	sshra.s32 s29, $0x2;
	p0 =	sne.s32 s29, $0xAE00;
	[tilespmem:s28+$0x3400] =	vst v12;
	v5 =	vmul.f32 v5, v10;
	v10 =	vld [tilespmem:s28+$0x3470]  }
0xe2: {  	v12 =	vld [tilespmem:s30+$0x8C00];
	[tilespmem:s28+$0x3410] =	vst v11;
	v4 =	vmul.f32 v4, v9  }
0xe3: {  	v11 =	vld [tilespmem:s30+$0x8C10];
	[tilespmem:s28+$0x3420] =	vst v5;
	v3 =	vmul.f32 v3, v8  }
0xe4: {  	v5 =	vld [tilespmem:s30+$0x8C20];
	[tilespmem:s28+$0x3430] =	vst v4;
	v2 =	vmul.f32 v2, v6  }
0xe5: {  	v4 =	vld [tilespmem:s30+$0x8C30];
	[tilespmem:s28+$0x3440] =	vst v3;
	v1 =	vmul.f32 v1, v7  }
0xe6: {  	v3 =	vld [tilespmem:s30+$0x8C40];
	[tilespmem:s28+$0x3450] =	vst v2;
	v0 =	vmul.f32 v0, v10  }
0xe7: {  	v2 =	vld [tilespmem:s30+$0x8C50];
	[tilespmem:s28+$0x3460] =	vst v1  }
0xe8: {  	v1 =	vld [tilespmem:s30+$0x8C60];
	[tilespmem:s28+$0x3470] =	vst v0;
	s28 =	smov.u32 s30  }
0xe9: {  	v0 =	vld [tilespmem:s28+$0x8C70]  }
0xea: {  	v6 =	vld [tilespmem:s28+$0x3400]  }
0xeb: {  	v7 =	vld [tilespmem:s28+$0x3410]  }
.Ltmp3:
0xec: {  	v10 =	vld [tilespmem:s28+$0x3420];
	(pc) =	sbr.rel @p0 .LBB2_9-.Ltmp3, $4  }
0xed: {  	v9 =	vld [tilespmem:s28+$0x3430]  }
0xee: {  	v8 =	vld [tilespmem:s28+$0x3440]  }
0xef: {  	v12 =	vmul.f32 v12, v6;
	v6 =	vld [tilespmem:s28+$0x3450]  }
0xf0: {  	s29 =	sadd.s32 $0x200, s29;
	v11 =	vmul.f32 v11, v7;
	v7 =	vld [tilespmem:s28+$0x3460]  }
0xf1: {  	[tilespmem:s28+$0x3400] =	vst v12;
	v5 =	vmul.f32 v5, v10;
	v10 =	vld [tilespmem:s28+$0x3470]  }
0xf2: {  	[tilespmem:s28+$0x3410] =	vst v11;
	v4 =	vmul.f32 v4, v9  }
0xf3: {  	[tilespmem:s28+$0x3420] =	vst v5;
	v3 =	vmul.f32 v3, v8  }
0xf4: {  	[tilespmem:s28+$0x3430] =	vst v4;
	v2 =	vmul.f32 v2, v6  }
0xf5: {  	[tilespmem:s28+$0x3440] =	vst v3;
	v1 =	vmul.f32 v1, v7  }
0xf6: {  	[tilespmem:s28+$0x3450] =	vst v2;
	v0 =	vmul.f32 v0, v10  }
0xf7: {  	[tilespmem:s28+$0x3460] =	vst v1  }
0xf8: {  	[tilespmem:s28+$0x3470] =	vst v0  }
0xf9: {  	[spmem:s3] =	stream.indirect.scatter.add.f32 [tilespmem:s21], [sflag:$0x3], $0x80, s0, s17, $0xb8;
	[tilespmem:$0x1F400] =	vst v63  }
0xfa: {  	_ =	swait.ge [sflag:s25], $0x580  }
0xfb: {  	[sflag:s25] =	ssyncset.done $0x0  }
0xfc: {  	[sflag:s25] =	ssyncadd.s32 $0xFFFFFA80  }
0xfd: {  	[tilespmem:s21], [sflag:$0x1] =	stream.indirect.gather [hbm4b:s1+s17], $0x80, s2, s17, $0xb8;
	[tilespmem:$0x1F400] =	vst v63  }
0xfe: {  	s29 =	simm.s32 $0x0;
	s28 =	sadd.s32 $0x1B80, s26  }
0xff: {  	[tilespmem:s22], [sflag:$0x2] =	stream.linear.gather [hbm4b:s28+s29], $0x2C00, $0x38;
	[tilespmem:$0x1F400] =	vst v63  }
0x100: {  	_ =	swait.ge [sflag:s23], $0x2C00  }
0x101: {  	[sflag:s23] =	ssyncset.done $0x0  }
0x102: {  	[sflag:s23] =	ssyncadd.s32 $0xFFFFD400  }
0x103: {  	_ =	swait.ge [sflag:s24], $0x2C00  }
0x104: {  	[sflag:s24] =	ssyncset.done $0x0  }
0x105: {  	s28 =	simm.s32 $0x0;
	[sflag:s24] =	ssyncadd.s32 $0xFFFFD400  }
0x106: {  	v7 =	vld [tilespmem:s28+$0x6000]  }
0x107: {  	v11 =	vld [tilespmem:s28+$0x6010]  }
0x108: {  	v5 =	vld [tilespmem:s28+$0x6020]  }
0x109: {  	v4 =	vld [tilespmem:s28+$0x6030]  }
0x10a: {  	v3 =	vld [tilespmem:s28+$0x6040]  }
0x10b: {  	v2 =	vld [tilespmem:s28+$0x6050]  }
0x10c: {  	v1 =	vld [tilespmem:s28+$0x6060]  }
0x10d: {  	v0 =	vld [tilespmem:s28+$0x6070]  }
0x10e: {  	v12 =	vld [tilespmem:s28+$0x800]  }
0x10f: {  	v13 =	vld [tilespmem:s28+$0x810]  }
0x110: {  	v10 =	vld [tilespmem:s28+$0x820]  }
0x111: {  	v9 =	vld [tilespmem:s28+$0x830]  }
0x112: {  	v8 =	vld [tilespmem:s28+$0x840]  }
0x113: {  	v6 =	vld [tilespmem:s28+$0x850];
	v12 =	vmul.f32 v7, v12  }
0x114: {  	s29 =	simm.s32 $0x200;
	v11 =	vmul.f32 v11, v13;
	v7 =	vld [tilespmem:s28+$0x860]  }
.LBB2_11:
0x115: {  	s30 =	sshra.s32 s29, $0x2;
	p0 =	sne.s32 s29, $0xAE00;
	[tilespmem:s28+$0x800] =	vst v12;
	v5 =	vmul.f32 v5, v10;
	v10 =	vld [tilespmem:s28+$0x870]  }
0x116: {  	v12 =	vld [tilespmem:s30+$0x6000];
	[tilespmem:s28+$0x810] =	vst v11;
	v4 =	vmul.f32 v4, v9  }
0x117: {  	v11 =	vld [tilespmem:s30+$0x6010];
	[tilespmem:s28+$0x820] =	vst v5;
	v3 =	vmul.f32 v3, v8  }
0x118: {  	v5 =	vld [tilespmem:s30+$0x6020];
	[tilespmem:s28+$0x830] =	vst v4;
	v2 =	vmul.f32 v2, v6  }
0x119: {  	v4 =	vld [tilespmem:s30+$0x6030];
	[tilespmem:s28+$0x840] =	vst v3;
	v1 =	vmul.f32 v1, v7  }
0x11a: {  	v3 =	vld [tilespmem:s30+$0x6040];
	[tilespmem:s28+$0x850] =	vst v2;
	v0 =	vmul.f32 v0, v10  }
0x11b: {  	v2 =	vld [tilespmem:s30+$0x6050];
	[tilespmem:s28+$0x860] =	vst v1  }
0x11c: {  	v1 =	vld [tilespmem:s30+$0x6060];
	[tilespmem:s28+$0x870] =	vst v0;
	s28 =	smov.u32 s30  }
0x11d: {  	v0 =	vld [tilespmem:s28+$0x6070]  }
0x11e: {  	v6 =	vld [tilespmem:s28+$0x800]  }
0x11f: {  	v7 =	vld [tilespmem:s28+$0x810]  }
.Ltmp4:
0x120: {  	v10 =	vld [tilespmem:s28+$0x820];
	(pc) =	sbr.rel @p0 .LBB2_11-.Ltmp4, $4  }
0x121: {  	v9 =	vld [tilespmem:s28+$0x830]  }
0x122: {  	v8 =	vld [tilespmem:s28+$0x840]  }
0x123: {  	v12 =	vmul.f32 v12, v6;
	v6 =	vld [tilespmem:s28+$0x850]  }
0x124: {  	s29 =	sadd.s32 $0x200, s29;
	v11 =	vmul.f32 v11, v7;
	v7 =	vld [tilespmem:s28+$0x860]  }
0x125: {  	[tilespmem:s28+$0x800] =	vst v12;
	v5 =	vmul.f32 v5, v10;
	v10 =	vld [tilespmem:s28+$0x870]  }
0x126: {  	[tilespmem:s28+$0x810] =	vst v11;
	v4 =	vmul.f32 v4, v9  }
0x127: {  	[tilespmem:s28+$0x820] =	vst v5;
	v3 =	vmul.f32 v3, v8  }
0x128: {  	[tilespmem:s28+$0x830] =	vst v4;
	v2 =	vmul.f32 v2, v6  }
0x129: {  	[tilespmem:s28+$0x840] =	vst v3;
	v1 =	vmul.f32 v1, v7  }
0x12a: {  	[tilespmem:s28+$0x850] =	vst v2;
	v0 =	vmul.f32 v0, v10  }
0x12b: {  	[tilespmem:s28+$0x860] =	vst v1  }
0x12c: {  	[tilespmem:s28+$0x870] =	vst v0  }
0x12d: {  	[spmem:s3] =	stream.indirect.scatter.add.f32 [tilespmem:s18], [sflag:$0x3], $0x80, s9, s17, $0xb8;
	[tilespmem:$0x1F400] =	vst v63  }
0x12e: {  	_ =	swait.ge [sflag:s25], $0x580  }
0x12f: {  	[sflag:s25] =	ssyncset.done $0x0  }
0x130: {  	[sflag:s25] =	ssyncadd.s32 $0xFFFFFA80  }
0x131: {  	[tilespmem:s18], [sflag:$0x1] =	stream.indirect.gather [hbm4b:s1+s17], $0x80, s12, s17, $0xb8;
	[tilespmem:$0x1F400] =	vst v63  }
0x132: {  	s29 =	simm.s32 $0x0;
	s28 =	sadd.s32 $0x2100, s26  }
0x133: {  	[tilespmem:s19], [sflag:$0x2] =	stream.linear.gather [hbm4b:s28+s29], $0x2C00, $0x38;
	[tilespmem:$0x1F400] =	vst v63  }
0x134: {  	_ =	swait.ge [sflag:s23], $0x2C00  }
0x135: {  	[sflag:s23] =	ssyncset.done $0x0  }
0x136: {  	[sflag:s23] =	ssyncadd.s32 $0xFFFFD400  }
0x137: {  	_ =	swait.ge [sflag:s24], $0x2C00  }
0x138: {  	[sflag:s24] =	ssyncset.done $0x0  }
0x139: {  	s28 =	simm.s32 $0x0;
	[sflag:s24] =	ssyncadd.s32 $0xFFFFD400  }
0x13a: {  	v7 =	vld [tilespmem:s28+$0x8C00]  }
0x13b: {  	v11 =	vld [tilespmem:s28+$0x8C10]  }
0x13c: {  	v5 =	vld [tilespmem:s28+$0x8C20]  }
0x13d: {  	v4 =	vld [tilespmem:s28+$0x8C30]  }
0x13e: {  	v3 =	vld [tilespmem:s28+$0x8C40]  }
0x13f: {  	v2 =	vld [tilespmem:s28+$0x8C50]  }
0x140: {  	v1 =	vld [tilespmem:s28+$0x8C60]  }
0x141: {  	v0 =	vld [tilespmem:s28+$0x8C70]  }
0x142: {  	v12 =	vld [tilespmem:s28+$0x3400]  }
0x143: {  	v13 =	vld [tilespmem:s28+$0x3410]  }
0x144: {  	v10 =	vld [tilespmem:s28+$0x3420]  }
0x145: {  	v9 =	vld [tilespmem:s28+$0x3430]  }
0x146: {  	v8 =	vld [tilespmem:s28+$0x3440]  }
0x147: {  	v6 =	vld [tilespmem:s28+$0x3450];
	v12 =	vmul.f32 v7, v12  }
0x148: {  	s29 =	simm.s32 $0x200;
	v11 =	vmul.f32 v11, v13;
	v7 =	vld [tilespmem:s28+$0x3460]  }
.LBB2_13:
0x149: {  	s30 =	sshra.s32 s29, $0x2;
	p0 =	sne.s32 s29, $0xAE00;
	[tilespmem:s28+$0x3400] =	vst v12;
	v5 =	vmul.f32 v5, v10;
	v10 =	vld [tilespmem:s28+$0x3470]  }
0x14a: {  	v12 =	vld [tilespmem:s30+$0x8C00];
	[tilespmem:s28+$0x3410] =	vst v11;
	v4 =	vmul.f32 v4, v9  }
0x14b: {  	v11 =	vld [tilespmem:s30+$0x8C10];
	[tilespmem:s28+$0x3420] =	vst v5;
	v3 =	vmul.f32 v3, v8  }
0x14c: {  	v5 =	vld [tilespmem:s30+$0x8C20];
	[tilespmem:s28+$0x3430] =	vst v4;
	v2 =	vmul.f32 v2, v6  }
0x14d: {  	v4 =	vld [tilespmem:s30+$0x8C30];
	[tilespmem:s28+$0x3440] =	vst v3;
	v1 =	vmul.f32 v1, v7  }
0x14e: {  	v3 =	vld [tilespmem:s30+$0x8C40];
	[tilespmem:s28+$0x3450] =	vst v2;
	v0 =	vmul.f32 v0, v10  }
0x14f: {  	v2 =	vld [tilespmem:s30+$0x8C50];
	[tilespmem:s28+$0x3460] =	vst v1  }
0x150: {  	v1 =	vld [tilespmem:s30+$0x8C60];
	[tilespmem:s28+$0x3470] =	vst v0;
	s28 =	smov.u32 s30  }
0x151: {  	v0 =	vld [tilespmem:s28+$0x8C70]  }
0x152: {  	v6 =	vld [tilespmem:s28+$0x3400]  }
0x153: {  	v7 =	vld [tilespmem:s28+$0x3410]  }
.Ltmp5:
0x154: {  	v10 =	vld [tilespmem:s28+$0x3420];
	(pc) =	sbr.rel @p0 .LBB2_13-.Ltmp5, $4  }
0x155: {  	v9 =	vld [tilespmem:s28+$0x3430]  }
0x156: {  	v8 =	vld [tilespmem:s28+$0x3440]  }
0x157: {  	v12 =	vmul.f32 v12, v6;
	v6 =	vld [tilespmem:s28+$0x3450]  }
0x158: {  	s29 =	sadd.s32 $0x200, s29;
	v11 =	vmul.f32 v11, v7;
	v7 =	vld [tilespmem:s28+$0x3460]  }
0x159: {  	[tilespmem:s28+$0x3400] =	vst v12;
	v5 =	vmul.f32 v5, v10;
	v10 =	vld [tilespmem:s28+$0x3470]  }
0x15a: {  	[tilespmem:s28+$0x3410] =	vst v11;
	v4 =	vmul.f32 v4, v9  }
0x15b: {  	[tilespmem:s28+$0x3420] =	vst v5;
	v3 =	vmul.f32 v3, v8  }
0x15c: {  	[tilespmem:s28+$0x3430] =	vst v4;
	v2 =	vmul.f32 v2, v6  }
0x15d: {  	[tilespmem:s28+$0x3440] =	vst v3;
	v1 =	vmul.f32 v1, v7  }
0x15e: {  	[tilespmem:s28+$0x3450] =	vst v2;
	v0 =	vmul.f32 v0, v10  }
0x15f: {  	[tilespmem:s28+$0x3460] =	vst v1  }
0x160: {  	[tilespmem:s28+$0x3470] =	vst v0  }
0x161: {  	[spmem:s3] =	stream.indirect.scatter.add.f32 [tilespmem:s21], [sflag:$0x3], $0x80, s13, s17, $0xb8;
	[tilespmem:$0x1F400] =	vst v63  }
0x162: {  	_ =	swait.ge [sflag:s25], $0x580  }
0x163: {  	[sflag:s25] =	ssyncset.done $0x0  }
0x164: {  	[sflag:s25] =	ssyncadd.s32 $0xFFFFFA80  }
0x165: {  	[tilespmem:s21], [sflag:$0x1] =	stream.indirect.gather [hbm4b:s1+s17], $0x80, s10, s17, $0xb8;
	[tilespmem:$0x1F400] =	vst v63  }
0x166: {  	s26 =	sadd.s32 $0x2680, s26;
	s28 =	simm.s32 $0x0  }
0x167: {  	[tilespmem:s22], [sflag:$0x2] =	stream.linear.gather [hbm4b:s26+s28], $0x2C00, $0x38;
	[tilespmem:$0x1F400] =	vst v63  }
0x168: {  	_ =	swait.ge [sflag:s23], $0x2C00  }
0x169: {  	[sflag:s23] =	ssyncset.done $0x0  }
0x16a: {  	[sflag:s23] =	ssyncadd.s32 $0xFFFFD400  }
0x16b: {  	_ =	swait.ge [sflag:s24], $0x2C00  }
0x16c: {  	[sflag:s24] =	ssyncset.done $0x0  }
0x16d: {  	s26 =	simm.s32 $0x0;
	[sflag:s24] =	ssyncadd.s32 $0xFFFFD400  }
0x16e: {  	v7 =	vld [tilespmem:s26+$0x6000]  }
0x16f: {  	v11 =	vld [tilespmem:s26+$0x6010]  }
0x170: {  	v5 =	vld [tilespmem:s26+$0x6020]  }
0x171: {  	v4 =	vld [tilespmem:s26+$0x6030]  }
0x172: {  	v3 =	vld [tilespmem:s26+$0x6040]  }
0x173: {  	v2 =	vld [tilespmem:s26+$0x6050]  }
0x174: {  	v1 =	vld [tilespmem:s26+$0x6060]  }
0x175: {  	v0 =	vld [tilespmem:s26+$0x6070]  }
0x176: {  	v12 =	vld [tilespmem:s26+$0x800]  }
0x177: {  	v13 =	vld [tilespmem:s26+$0x810]  }
0x178: {  	v10 =	vld [tilespmem:s26+$0x820]  }
0x179: {  	v9 =	vld [tilespmem:s26+$0x830]  }
0x17a: {  	v8 =	vld [tilespmem:s26+$0x840]  }
0x17b: {  	v6 =	vld [tilespmem:s26+$0x850];
	v12 =	vmul.f32 v7, v12  }
0x17c: {  	s28 =	simm.s32 $0x200;
	v11 =	vmul.f32 v11, v13;
	v7 =	vld [tilespmem:s26+$0x860]  }
.LBB2_15:
0x17d: {  	s29 =	sshra.s32 s28, $0x2;
	p0 =	sne.s32 s28, $0xAE00;
	[tilespmem:s26+$0x800] =	vst v12;
	v5 =	vmul.f32 v5, v10;
	v10 =	vld [tilespmem:s26+$0x870]  }
0x17e: {  	v12 =	vld [tilespmem:s29+$0x6000];
	[tilespmem:s26+$0x810] =	vst v11;
	v4 =	vmul.f32 v4, v9  }
0x17f: {  	v11 =	vld [tilespmem:s29+$0x6010];
	[tilespmem:s26+$0x820] =	vst v5;
	v3 =	vmul.f32 v3, v8  }
0x180: {  	v5 =	vld [tilespmem:s29+$0x6020];
	[tilespmem:s26+$0x830] =	vst v4;
	v2 =	vmul.f32 v2, v6  }
0x181: {  	v4 =	vld [tilespmem:s29+$0x6030];
	[tilespmem:s26+$0x840] =	vst v3;
	v1 =	vmul.f32 v1, v7  }
0x182: {  	v3 =	vld [tilespmem:s29+$0x6040];
	[tilespmem:s26+$0x850] =	vst v2;
	v0 =	vmul.f32 v0, v10  }
0x183: {  	v2 =	vld [tilespmem:s29+$0x6050];
	[tilespmem:s26+$0x860] =	vst v1  }
0x184: {  	v1 =	vld [tilespmem:s29+$0x6060];
	[tilespmem:s26+$0x870] =	vst v0;
	s26 =	smov.u32 s29  }
0x185: {  	v0 =	vld [tilespmem:s26+$0x6070]  }
0x186: {  	v6 =	vld [tilespmem:s26+$0x800]  }
0x187: {  	v7 =	vld [tilespmem:s26+$0x810]  }
.Ltmp6:
0x188: {  	v10 =	vld [tilespmem:s26+$0x820];
	(pc) =	sbr.rel @p0 .LBB2_15-.Ltmp6, $4  }
0x189: {  	v9 =	vld [tilespmem:s26+$0x830]  }
0x18a: {  	v8 =	vld [tilespmem:s26+$0x840]  }
0x18b: {  	v12 =	vmul.f32 v12, v6;
	v6 =	vld [tilespmem:s26+$0x850]  }
0x18c: {  	s28 =	sadd.s32 $0x200, s28;
	v11 =	vmul.f32 v11, v7;
	v7 =	vld [tilespmem:s26+$0x860]  }
0x18d: {  	[tilespmem:s26+$0x800] =	vst v12;
	v5 =	vmul.f32 v5, v10;
	v10 =	vld [tilespmem:s26+$0x870]  }
0x18e: {  	[tilespmem:s26+$0x810] =	vst v11;
	v4 =	vmul.f32 v4, v9  }
0x18f: {  	[tilespmem:s26+$0x820] =	vst v5;
	v3 =	vmul.f32 v3, v8  }
0x190: {  	[tilespmem:s26+$0x830] =	vst v4;
	v2 =	vmul.f32 v2, v6  }
0x191: {  	[tilespmem:s26+$0x840] =	vst v3;
	v1 =	vmul.f32 v1, v7  }
0x192: {  	[tilespmem:s26+$0x850] =	vst v2;
	v0 =	vmul.f32 v0, v10  }
0x193: {  	[tilespmem:s26+$0x860] =	vst v1  }
0x194: {  	[tilespmem:s26+$0x870] =	vst v0  }
0x195: {  	[spmem:s3] =	stream.indirect.scatter.add.f32 [tilespmem:s18], [sflag:$0x3], $0x80, s14, s17, $0xb8;
	[tilespmem:$0x1F400] =	vst v63  }
0x196: {  	_ =	swait.ge [sflag:s23], $0x2C00  }
0x197: {  	[sflag:s23] =	ssyncset.done $0x0  }
0x198: {  	[sflag:s23] =	ssyncadd.s32 $0xFFFFD400  }
0x199: {  	_ =	swait.ge [sflag:s24], $0x2C00  }
0x19a: {  	[sflag:s24] =	ssyncset.done $0x0  }
0x19b: {  	s26 =	simm.s32 $0x0;
	[sflag:s24] =	ssyncadd.s32 $0xFFFFD400  }
0x19c: {  	v7 =	vld [tilespmem:s26+$0x8C00]  }
0x19d: {  	v11 =	vld [tilespmem:s26+$0x8C10]  }
0x19e: {  	v5 =	vld [tilespmem:s26+$0x8C20]  }
0x19f: {  	v4 =	vld [tilespmem:s26+$0x8C30]  }
0x1a0: {  	v3 =	vld [tilespmem:s26+$0x8C40]  }
0x1a1: {  	v2 =	vld [tilespmem:s26+$0x8C50]  }
0x1a2: {  	v1 =	vld [tilespmem:s26+$0x8C60]  }
0x1a3: {  	v0 =	vld [tilespmem:s26+$0x8C70]  }
0x1a4: {  	v12 =	vld [tilespmem:s26+$0x3400]  }
0x1a5: {  	v13 =	vld [tilespmem:s26+$0x3410]  }
0x1a6: {  	v10 =	vld [tilespmem:s26+$0x3420]  }
0x1a7: {  	v9 =	vld [tilespmem:s26+$0x3430]  }
0x1a8: {  	v8 =	vld [tilespmem:s26+$0x3440]  }
0x1a9: {  	v6 =	vld [tilespmem:s26+$0x3450];
	v12 =	vmul.f32 v7, v12  }
0x1aa: {  	s28 =	simm.s32 $0x200;
	v11 =	vmul.f32 v11, v13;
	v7 =	vld [tilespmem:s26+$0x3460]  }
.LBB2_17:
0x1ab: {  	s29 =	sshra.s32 s28, $0x2;
	p0 =	sne.s32 s28, $0xAE00;
	[tilespmem:s26+$0x3400] =	vst v12;
	v5 =	vmul.f32 v5, v10;
	v10 =	vld [tilespmem:s26+$0x3470]  }
0x1ac: {  	v12 =	vld [tilespmem:s29+$0x8C00];
	[tilespmem:s26+$0x3410] =	vst v11;
	v4 =	vmul.f32 v4, v9  }
0x1ad: {  	v11 =	vld [tilespmem:s29+$0x8C10];
	[tilespmem:s26+$0x3420] =	vst v5;
	v3 =	vmul.f32 v3, v8  }
0x1ae: {  	v5 =	vld [tilespmem:s29+$0x8C20];
	[tilespmem:s26+$0x3430] =	vst v4;
	v2 =	vmul.f32 v2, v6  }
0x1af: {  	v4 =	vld [tilespmem:s29+$0x8C30];
	[tilespmem:s26+$0x3440] =	vst v3;
	v1 =	vmul.f32 v1, v7  }
0x1b0: {  	v3 =	vld [tilespmem:s29+$0x8C40];
	[tilespmem:s26+$0x3450] =	vst v2;
	v0 =	vmul.f32 v0, v10  }
0x1b1: {  	v2 =	vld [tilespmem:s29+$0x8C50];
	[tilespmem:s26+$0x3460] =	vst v1  }
0x1b2: {  	v1 =	vld [tilespmem:s29+$0x8C60];
	[tilespmem:s26+$0x3470] =	vst v0;
	s26 =	smov.u32 s29  }
0x1b3: {  	v0 =	vld [tilespmem:s26+$0x8C70]  }
0x1b4: {  	v6 =	vld [tilespmem:s26+$0x3400]  }
0x1b5: {  	v7 =	vld [tilespmem:s26+$0x3410]  }
.Ltmp7:
0x1b6: {  	v10 =	vld [tilespmem:s26+$0x3420];
	(pc) =	sbr.rel @p0 .LBB2_17-.Ltmp7, $4  }
0x1b7: {  	v9 =	vld [tilespmem:s26+$0x3430]  }
0x1b8: {  	v8 =	vld [tilespmem:s26+$0x3440]  }
0x1b9: {  	v12 =	vmul.f32 v12, v6;
	v6 =	vld [tilespmem:s26+$0x3450]  }
0x1ba: {  	s28 =	sadd.s32 $0x200, s28;
	v11 =	vmul.f32 v11, v7;
	v7 =	vld [tilespmem:s26+$0x3460]  }
0x1bb: {  	[tilespmem:s26+$0x3400] =	vst v12;
	v5 =	vmul.f32 v5, v10;
	v63 =	vld [tilespmem:s26+$0x3470]  }
0x1bc: {  	[tilespmem:s26+$0x3410] =	vst v11;
	v4 =	vmul.f32 v4, v9  }
0x1bd: {  	[tilespmem:s26+$0x3420] =	vst v5;
	v3 =	vmul.f32 v3, v8  }
0x1be: {  	[tilespmem:s26+$0x3430] =	vst v4;
	v2 =	vmul.f32 v2, v6  }
0x1bf: {  	[tilespmem:s26+$0x3440] =	vst v3;
	v1 =	vmul.f32 v1, v7  }
0x1c0: {  	[tilespmem:s26+$0x3450] =	vst v2;
	v0 =	vmul.f32 v0, v63  }
0x1c1: {  	[tilespmem:s26+$0x3460] =	vst v1  }
0x1c2: {  	s20 =	sadd.s32 $0x1, s20;
	[tilespmem:s26+$0x3470] =	vst v0  }
0x1c3: {  	[spmem:s3] =	stream.indirect.scatter.add.f32 [tilespmem:s21], [sflag:$0x3], $0x80, s4, s17, $0xb8;
	[tilespmem:$0x1F400] =	vst v63  }
0x1c4: {  	p0 =	sne.s32 s20, $0xF;
	_ =	swait.ge [sflag:s25], $0x580  }
.Ltmp8:
0x1c5: {  	[sflag:s25] =	ssyncset.done $0x0;
	(pc) =	sbr.rel @p0 .LBB2_2-.Ltmp8, $4  }
0x1c6: {  	[sflag:s25] =	ssyncadd.s32 $0xFFFFFA80  }
0x1c7: {  	_ =	swait.ge [sflag:s25], $0x580  }
0x1c8: {  	[sflag:s25] =	ssyncset.done $0x0  }
0x1c9: {  	[sflag:s25] =	ssyncadd.s32 $0xFFFFFA80  }
0x1ca: {  	[bflag:$0x0] =	sbarrier.arrive $0xFFFF  }
0x1cb: {  	s26 =	rddreg [dreg:$0x6]  }
0x1cc: {  	s20 =	rddreg [dreg:$0x7]  }
0x1cd: {  	s29 =	rddreg [dreg:$0x9]  }
0x1ce: {  	[hbm:s20], [sflag:s26] =	dma.local [spmem:s29], $0x2780  }
0x1cf: {  	_ =	swait.ge [sflag:s15], $0x2780  }
0x1d0: {  	s30 =	rddreg [dreg:$0x4]  }
0x1d1: {  	s28 =	rddreg [dreg:$0x8];
	s20 =	sadd.s32 $0x1, s30  }
0x1d2: {  	p0 =	sne.s32 s20, s28  }
.Ltmp9:
0x1d3: {  	_ = 	snop;
	(pc) =	sbr.rel @p0 .LBB2_1-.Ltmp9, $3  }
0x1d4: {  	_ =	sdelay $0x1  }
0x1d5: {  	[sflag:s15] =	ssyncset.done $0x0  }
0x1d6: {  	[sflag:s15] =	ssyncadd.s32 $0xFFFFD880  }
0x1d7: {  	_ =	sfence.sel $0x180000  }
0x1d8: {  	[bflag:$0x0] =	sbarrier.arrive $0xFFFF  }
0x1d9: {  	_ =	strace $0x90000047  }
0x1da: {  	s0 =	stileid.u32;
	[bflag:$0x2] =	sbarrier.arrive $0xFFFF  }
0x1db: {  	p0 =	sne.s32 s0, $0x0;
	s0 =	rddreg [dreg:$0x3]  }
0x1dc: {  	s0 =	sadd.s32 @!p0 $0x100000, s0  }
0x1dd: {  	[sflag:s0] =	ssyncadd.tile.s32 @!p0 $0x1;
	_ =	shalt  }
.Lfunc_end2:
_tile_overlayer_lowered:
.L_overlay_start_2:
0x1de: {  	(tag) =	ssettag $0x2  }
0x1df: {  	s0 =	rddreg [dreg:$0x0];
	s2 =	stileid.u32  }
0x1e0: {  	s1 =	rddreg [dreg:$0x1];
	p0 =	sne.s32 s2, $0x0  }
0x1e1: {  	s3 =	rddreg [dreg:$0x2];
	[bflag:$0x3] =	sbarrier.arrive $0xFFFF;
	s2 =	simm.s32 @!p0 $0x1C04  }
0x1e2: {  	[timem:s3], [sflag:s2] =	dma.local @!p0 [hbm:s0], s1  }
0x1e3: {  	s0 =	simm.s32 @!p0 $0x4  }
0x1e4: {  	_ =	swait.ge @!p0 [sflag:s0], s1  }
0x1e5: {  	s1 =	ssub.s32 @!p0 $0x0, s1;
	[sflag:s0] =	ssyncset.done @!p0 $0x0  }
0x1e6: {  	[sflag:s0] =	ssyncadd.s32 @!p0 s1  }
0x1e7: {  	[bflag:$0x3] =	sbarrier.arrive $0xFFFF  }
0x1e8: {  	_ =	shalt  }

</sc_bundles>
